<compile_context>
chip_gen: v7x
topology: tpu7x:2x2x1
jax: 0.10.2.dev20260603
libtpu: 0.0.44.dev20260713+nightly
codegen_flags: <defaults>
</compile_context>

<pallas_src>
import jax
import jax.numpy as jnp
from jax import lax
from jax.experimental import pallas as pl
from jax.experimental.pallas import tpu as pltpu
from jax.experimental.pallas import tpu_sc as plsc

B = 16384
EMB = 16
NF = 9
NNUM = 8
CMAX = 100000
TRB = 2048
CP = 100352
NTB = CP // TRB
TB = 2048

_info = plsc.get_sparse_core_info()
_NC, _NS = _info.num_cores, _info.num_subcores
_NW = _NC * _NS
_BPW = B // _NW


def _tc_transpose_body(*refs):
    nf = len(refs) // 2
    ins = refs[:nf]
    outs = refs[nf:]
    row = lax.broadcasted_iota(jnp.int32, (TRB, 128), 0)
    lane = lax.broadcasted_iota(jnp.int32, (TRB, 128), 1)
    mask = ((lane // EMB) == (row % 8)).astype(jnp.float32)
    selj = lax.broadcasted_iota(jnp.int32, (EMB, 128), 0)
    selc = lax.broadcasted_iota(jnp.int32, (EMB, 128), 1)
    sel = (selj == (selc % EMB)).astype(jnp.float32)
    for i in range(nf):
        r = lax.dot_general(ins[i][...], sel, (((0,), (0,)), ((), ())),
                            preferred_element_type=jnp.float32)
        outs[i][...] = (r * mask).reshape(TRB // 8, 8, 128).sum(axis=1)


def _tc_transpose(*dts):
    n = len(dts)
    return pl.pallas_call(
        _tc_transpose_body,
        grid=(NTB,),
        in_specs=[pl.BlockSpec((EMB, TRB), lambda b: (0, b))
                  for _ in range(n)],
        out_specs=[pl.BlockSpec((TRB // 8, 128), lambda b: (b, 0))
                   for _ in range(n)],
        out_shape=[jax.ShapeDtypeStruct((CP // 8, 128), jnp.float32)] * n,
    )(*dts)


def _make_sc_gather_body(start, nf):
    def body(cat_ref, *rest):
        wide_refs = rest[0:nf]
        deep_refs = rest[nf:2 * nf]
        deep_out = rest[2 * nf]
        wide_out = rest[2 * nf + 1]
        idx_v, drows_v, wrows_v, dsem, wsem = rest[2 * nf + 2:]

        wid = lax.axis_index("s") * _NC + lax.axis_index("c")
        base = wid * _BPW

        for i in range(nf):
            pltpu.sync_copy(cat_ref.at[pl.ds((start + i) * B + base, _BPW)],
                            idx_v)
            dcp = pltpu.async_copy(deep_refs[i].at[idx_v], drows_v, dsem)
            wcp = pltpu.async_copy(wide_refs[i].at[idx_v], wrows_v, wsem)
            dcp.wait()
            pltpu.sync_copy(
                drows_v,
                deep_out.at[pl.ds(base, _BPW), pl.ds(i * EMB, EMB)])
            wcp.wait()
            pltpu.sync_copy(wrows_v, wide_out.at[pl.ds(i * B + base, _BPW)])
    return body


def _sc_gather(cat_flat, wides, deeps, start):
    nf = len(deeps)
    mesh = plsc.VectorSubcoreMesh(core_axis_name="c", subcore_axis_name="s")
    f = pl.kernel(
        _make_sc_gather_body(start, nf),
        out_type=(
            jax.ShapeDtypeStruct((B, nf * EMB), jnp.float32),
            jax.ShapeDtypeStruct((nf * B,), jnp.float32),
        ),
        mesh=mesh,
        scratch_types=[
            pltpu.VMEM((_BPW,), jnp.int32),
            pltpu.VMEM((_BPW, EMB), jnp.float32),
            pltpu.VMEM((_BPW,), jnp.float32),
            pltpu.SemaphoreType.DMA,
            pltpu.SemaphoreType.DMA,
        ],
        compiler_params=pltpu.CompilerParams(use_tc_tiling_on_sc=False),
    )
    return f(cat_flat, *wides, *deeps)


def _make_tc_mlp_body(ng):
    def body(*refs):
        deep_refs = refs[0:ng]
        num_ref = refs[ng]
        wide_refs = refs[ng + 1:2 * ng + 1]
        w0_ref, b0_ref, w1_ref, b1_ref, w2_ref, b2_ref, out_ref = \
            refs[2 * ng + 1:]
        x = jnp.concatenate([d[...] for d in deep_refs]
                            + [num_ref[...].T], axis=1)
        h = jnp.maximum(jnp.dot(x, w0_ref[...],
                                preferred_element_type=jnp.float32)
                        + b0_ref[...], 0.0)
        h = jnp.maximum(jnp.dot(h, w1_ref[...],
                                preferred_element_type=jnp.float32)
                        + b1_ref[...], 0.0)
        z = jnp.dot(h, w2_ref[...], preferred_element_type=jnp.float32) \
            + b2_ref[...]
        wide = sum(jnp.sum(w[...], axis=0) for w in wide_refs)
        out_ref[...] = jax.nn.sigmoid(z[:, 0] + wide)
    return body


def _tc_mlp(deep_gs, numerical, wide_gs, w0t, b0, w1t, b1, w2t, b2):
    grid = (B // TB,)
    ng = len(deep_gs)
    return pl.pallas_call(
        _make_tc_mlp_body(ng),
        grid=grid,
        in_specs=[pl.BlockSpec((TB, g.shape[1]), lambda t: (t, 0))
                  for g in deep_gs]
        + [pl.BlockSpec((NNUM, TB), lambda t: (0, t))]
        + [pl.BlockSpec((w.shape[0], TB), lambda t: (0, t))
           for w in wide_gs]
        + [
            pl.BlockSpec(w0t.shape, lambda t: (0, 0)),
            pl.BlockSpec(b0.shape, lambda t: (0, 0)),
            pl.BlockSpec(w1t.shape, lambda t: (0, 0)),
            pl.BlockSpec(b1.shape, lambda t: (0, 0)),
            pl.BlockSpec(w2t.shape, lambda t: (0, 0)),
            pl.BlockSpec(b2.shape, lambda t: (0, 0)),
        ],
        out_specs=pl.BlockSpec((TB,), lambda t: (t,)),
        out_shape=jax.ShapeDtypeStruct((B,), jnp.float32),
    )(*deep_gs, numerical, *wide_gs, w0t, b0, w1t, b1, w2t, b2)


def kernel(categorical, numerical,
           wide_0, wide_1, wide_2, wide_3, wide_4, wide_5, wide_6, wide_7,
           wide_8,
           deep_0, deep_1, deep_2, deep_3, deep_4, deep_5, deep_6, deep_7,
           deep_8,
           W0, b0, W1, b1, W2, b2):
    wides = (wide_0, wide_1, wide_2, wide_3, wide_4, wide_5, wide_6, wide_7,
             wide_8)
    deeps = (deep_0, deep_1, deep_2, deep_3, deep_4, deep_5, deep_6, deep_7,
             deep_8)
    cat_flat = categorical.T.astype(jnp.int32).reshape(-1)
    wides_flat = tuple(
        lax.slice(w, (0, 0), (CMAX, 1)).reshape(-1) for w in wides)
    groups = ((0, 3), (3, 3), (6, 3))
    rms = [_tc_transpose(*(d.T for d in deeps[s:s + n]))
           for s, n in groups]
    deep_gs, wide_gs = [], []
    for (s, n), rm in zip(groups, rms):
        dg, wg = _sc_gather(cat_flat, wides_flat[s:s + n],
                            tuple(t.reshape(CP, EMB) for t in rm), s)
        deep_gs.append(dg)
        wide_gs.append(wg.reshape(n, B))
    out = _tc_mlp(deep_gs, numerical.T, wide_gs,
                  W0.T, b0.reshape(1, -1), W1.T, b1.reshape(1, -1),
                  W2.T, b2.reshape(1, -1))
    return out

# --- scband reference (transcript-rebuilt; emitter-appended) ---
"""Pipeline reference for scband-impression-conversion-network-18614388261450 (READ-ONLY COPY).

The authoritative reference and input builder live on the scoring server;
editing this copy changes nothing except your own understanding.
"""

import jax, jax.numpy as jnp
import numpy as np

CARDS = [1000000, 1000000, 1000000, 100000, 100000, 100000, 100000, 100000, 100000]
EMB = 16
B = 16384
NNUM = 8
H0, H1 = 128, 64


def setup_inputs(seed: int = 0) -> dict:
    key = jax.random.key(seed)
    inp = {}
    inp['categorical'] = jax.random.randint(jax.random.fold_in(key, 0), (B, 9), 0, 100000)
    inp['numerical'] = jax.random.normal(jax.random.fold_in(key, 1), (B, NNUM), dtype=jnp.float32)
    for i, c in enumerate(CARDS):
        inp[f'wide_{i}'] = 0.01 * jax.random.normal(jax.random.fold_in(key, 10 + i), (c, 1), dtype=jnp.float32)
        inp[f'deep_{i}'] = 0.01 * jax.random.normal(jax.random.fold_in(key, 100 + i), (c, EMB), dtype=jnp.float32)
    d_in = 9 * EMB + NNUM
    inp['W0'] = jax.random.normal(jax.random.fold_in(key, 200), (H0, d_in), dtype=jnp.float32) / np.sqrt(d_in)
    inp['b0'] = jnp.zeros((H0,), dtype=jnp.float32)
    inp['W1'] = jax.random.normal(jax.random.fold_in(key, 201), (H1, H0), dtype=jnp.float32) / np.sqrt(H0)
    inp['b1'] = jnp.zeros((H1,), dtype=jnp.float32)
    inp['W2'] = jax.random.normal(jax.random.fold_in(key, 202), (1, H1), dtype=jnp.float32) / np.sqrt(H1)
    inp['b2'] = jnp.zeros((1,), dtype=jnp.float32)
    return inp


def reference(categorical, numerical,
              wide_0, wide_1, wide_2, wide_3, wide_4, wide_5, wide_6, wide_7, wide_8,
              deep_0, deep_1, deep_2, deep_3, deep_4, deep_5, deep_6, deep_7, deep_8,
              W0, b0, W1, b1, W2, b2):
    wides = [wide_0, wide_1, wide_2, wide_3, wide_4, wide_5, wide_6, wide_7, wide_8]
    deeps = [deep_0, deep_1, deep_2, deep_3, deep_4, deep_5, deep_6, deep_7, deep_8]
    # wide part: sum of per-field 1-d embeddings (gather)
    wide_logits = jnp.zeros((categorical.shape[0], 1), dtype=jnp.float32)
    for i in range(9):
        wide_logits = wide_logits + jnp.take(wides[i], categorical[:, i], axis=0)
    # deep part: concat per-field embeddings (gathers) + numerical
    deep_embs = [jnp.take(deeps[i], categorical[:, i], axis=0) for i in range(9)]
    deep_input = jnp.concatenate(deep_embs + [numerical], axis=1)
    h = jax.nn.relu(deep_input @ W0.T + b0)
    h = jax.nn.relu(h @ W1.T + b1)
    deep_logits = h @ W2.T + b2
    logits = wide_logits + deep_logits
    p = jax.nn.sigmoid(logits)
    return jnp.squeeze(p, axis=-1)

if __name__ == "__main__":
    import jax
    _d = setup_inputs()
    print(jax.jit(kernel)(*tuple(_d.values())))

</pallas_src>

<mosaic_0001>
#map = affine_map<(d0, d1) -> (0)>
#map1 = affine_map<(d0, d1) -> (0, 0)>
module attributes {stable_mosaic.version = 14 : i64} {
  func.func @body(%arg0: i32, %arg1: i32, %arg2: memref<147456xi32, #tpu.memory_space<hbm>>, %arg3: memref<100000xf32, #tpu.memory_space<hbm>>, %arg4: memref<100000xf32, #tpu.memory_space<hbm>>, %arg5: memref<100000xf32, #tpu.memory_space<hbm>>, %arg6: memref<100352x16xf32, #tpu.memory_space<hbm>>, %arg7: memref<100352x16xf32, #tpu.memory_space<hbm>>, %arg8: memref<100352x16xf32, #tpu.memory_space<hbm>>, %arg9: memref<16384x48xf32, #tpu.memory_space<hbm>>, %arg10: memref<49152xf32, #tpu.memory_space<hbm>>, %arg11: memref<512xi32, #tpu.memory_space<vmem>>, %arg12: memref<512x16xf32, #tpu.memory_space<vmem>>, %arg13: memref<512xf32, #tpu.memory_space<vmem>>, %arg14: memref<!tpu.dma_semaphore, #tpu.memory_space<semaphore_mem>>, %arg15: memref<!tpu.dma_semaphore, #tpu.memory_space<semaphore_mem>>) attributes {dimension_semantics = [#tpu.dimension_semantics<core_parallel>, #tpu.dimension_semantics<subcore_parallel>], iteration_bounds = array<i64: 2, 16>, scalar_prefetch = 0 : i64, scratch_operands = 5 : i64, tpu.core_type = #tpu.core_type<sc_vector_subcore>, window_params = [{transform_indices = #map}, {transform_indices = #map}, {transform_indices = #map}, {transform_indices = #map}, {transform_indices = #map1}, {transform_indices = #map1}, {transform_indices = #map1}, {transform_indices = #map1}, {transform_indices = #map}]} {
    %mul3A = arith.constant 2 : i32
    %mul3A_0 = arith.muli %arg1, %mul3A : i32
    %add3A = arith.addi %mul3A_0, %arg0 : i32
    %mul3A_1 = arith.constant 512 : i32
    %mul3A_2 = arith.muli %add3A, %mul3A_1 : i32
    %add3A_3 = arith.constant 98304 : i32
    %add3A_4 = arith.addi %add3A_3, %mul3A_2 : i32
    "tpu.region"() ({
      %run_scoped3A = tpu.sem_alloc : memref<!tpu.dma_semaphore, #tpu.memory_space<semaphore_mem>>
      %dma_start3A_43 = tpu.memref_slice %arg2[%add3A_4] : memref<147456xi32, #tpu.memory_space<hbm>> -> memref<512xi32, #tpu.memory_space<hbm>>
      %dma_start3A_44 = tpu.memref_slice %arg2[%add3A_4] : memref<147456xi32, #tpu.memory_space<hbm>> -> memref<512xi32, #tpu.memory_space<hbm>>
      tpu.enqueue_dma source(%dma_start3A_44 : memref<512xi32, #tpu.memory_space<hbm>>) target(%arg11 : memref<512xi32, #tpu.memory_space<vmem>>) target_semaphore(%run_scoped3A : memref<!tpu.dma_semaphore, #tpu.memory_space<semaphore_mem>>)
      %dma_wait3A_45 = tpu.memref_slice %arg2[%add3A_4] : memref<147456xi32, #tpu.memory_space<hbm>> -> memref<512xi32, #tpu.memory_space<hbm>>
      %dma_wait3A_46 = tpu.memref_slice %arg2[%add3A_4] : memref<147456xi32, #tpu.memory_space<hbm>> -> memref<512xi32, #tpu.memory_space<hbm>>
      tpu.wait_dma2 semaphore(%run_scoped3A : memref<!tpu.dma_semaphore, #tpu.memory_space<semaphore_mem>>) src(%dma_wait3A_46 : memref<512xi32, #tpu.memory_space<hbm>>) dst(%arg11 : memref<512xi32, #tpu.memory_space<vmem>>)
      tpu.yield
    }) : () -> ()
    %dma_start3A = arith.constant 0 : i32
    %dma_start3A_5 = arith.constant 0 : i32
    %dma_start3A_6 = tpu.memref_slice %arg6[%dma_start3A, %dma_start3A_5] : memref<100352x16xf32, #tpu.memory_space<hbm>> -> memref<100352x16xf32, #tpu.memory_space<hbm>>
    tpu.enqueue_indirect_dma source(%dma_start3A_6 : memref<100352x16xf32, #tpu.memory_space<hbm>>) target(%arg12 : memref<512x16xf32, #tpu.memory_space<vmem>>) offsets(%arg11 : memref<512xi32, #tpu.memory_space<vmem>>) semaphore(%arg14 : memref<!tpu.dma_semaphore, #tpu.memory_space<semaphore_mem>>)
    %dma_start3A_7 = arith.constant 0 : i32
    %dma_start3A_8 = tpu.memref_slice %arg3[%dma_start3A_7] : memref<100000xf32, #tpu.memory_space<hbm>> -> memref<100000xf32, #tpu.memory_space<hbm>>
    tpu.enqueue_indirect_dma source(%dma_start3A_8 : memref<100000xf32, #tpu.memory_space<hbm>>) target(%arg13 : memref<512xf32, #tpu.memory_space<vmem>>) offsets(%arg11 : memref<512xi32, #tpu.memory_space<vmem>>) semaphore(%arg15 : memref<!tpu.dma_semaphore, #tpu.memory_space<semaphore_mem>>)
    %dma_wait3A = arith.constant 0 : i32
    %dma_wait3A_9 = arith.constant 0 : i32
    %dma_wait3A_10 = tpu.memref_slice %arg6[%dma_wait3A, %dma_wait3A_9] : memref<100352x16xf32, #tpu.memory_space<hbm>> -> memref<100352x16xf32, #tpu.memory_space<hbm>>
    tpu.wait_indirect_dma semaphore(%arg14 : memref<!tpu.dma_semaphore, #tpu.memory_space<semaphore_mem>>) src(%dma_wait3A_10 : memref<100352x16xf32, #tpu.memory_space<hbm>>) dst(%arg12 : memref<512x16xf32, #tpu.memory_space<vmem>>)
    "tpu.region"() ({
      %run_scoped3A = tpu.sem_alloc : memref<!tpu.dma_semaphore, #tpu.memory_space<semaphore_mem>>
      %dma_start3A_43 = arith.constant 0 : i32
      %dma_start3A_44 = tpu.memref_slice %arg9[%mul3A_2, %dma_start3A_43] : memref<16384x48xf32, #tpu.memory_space<hbm>> -> memref<512x16xf32, #tpu.memory_space<hbm>>
      %dma_start3A_45 = arith.constant 0 : i32
      %dma_start3A_46 = tpu.memref_slice %arg9[%mul3A_2, %dma_start3A_45] : memref<16384x48xf32, #tpu.memory_space<hbm>> -> memref<512x16xf32, #tpu.memory_space<hbm>>
      tpu.enqueue_dma source(%arg12 : memref<512x16xf32, #tpu.memory_space<vmem>>) target(%dma_start3A_46 : memref<512x16xf32, #tpu.memory_space<hbm>>) target_semaphore(%run_scoped3A : memref<!tpu.dma_semaphore, #tpu.memory_space<semaphore_mem>>)
      %dma_wait3A_47 = arith.constant 0 : i32
      %dma_wait3A_48 = tpu.memref_slice %arg9[%mul3A_2, %dma_wait3A_47] : memref<16384x48xf32, #tpu.memory_space<hbm>> -> memref<512x16xf32, #tpu.memory_space<hbm>>
      %dma_wait3A_49 = arith.constant 0 : i32
      %dma_wait3A_50 = tpu.memref_slice %arg9[%mul3A_2, %dma_wait3A_49] : memref<16384x48xf32, #tpu.memory_space<hbm>> -> memref<512x16xf32, #tpu.memory_space<hbm>>
      tpu.wait_dma2 semaphore(%run_scoped3A : memref<!tpu.dma_semaphore, #tpu.memory_space<semaphore_mem>>) src(%arg12 : memref<512x16xf32, #tpu.memory_space<vmem>>) dst(%dma_wait3A_50 : memref<512x16xf32, #tpu.memory_space<hbm>>)
      tpu.yield
    }) : () -> ()
    %dma_wait3A_11 = arith.constant 0 : i32
    %dma_wait3A_12 = tpu.memref_slice %arg3[%dma_wait3A_11] : memref<100000xf32, #tpu.memory_space<hbm>> -> memref<100000xf32, #tpu.memory_space<hbm>>
    tpu.wait_indirect_dma semaphore(%arg15 : memref<!tpu.dma_semaphore, #tpu.memory_space<semaphore_mem>>) src(%dma_wait3A_12 : memref<100000xf32, #tpu.memory_space<hbm>>) dst(%arg13 : memref<512xf32, #tpu.memory_space<vmem>>)
    %add3A_13 = arith.constant 0 : i32
    %add3A_14 = arith.addi %add3A_13, %mul3A_2 : i32
    "tpu.region"() ({
      %run_scoped3A = tpu.sem_alloc : memref<!tpu.dma_semaphore, #tpu.memory_space<semaphore_mem>>
      %dma_start3A_43 = tpu.memref_slice %arg10[%add3A_14] : memref<49152xf32, #tpu.memory_space<hbm>> -> memref<512xf32, #tpu.memory_space<hbm>>
      %dma_start3A_44 = tpu.memref_slice %arg10[%add3A_14] : memref<49152xf32, #tpu.memory_space<hbm>> -> memref<512xf32, #tpu.memory_space<hbm>>
      tpu.enqueue_dma source(%arg13 : memref<512xf32, #tpu.memory_space<vmem>>) target(%dma_start3A_44 : memref<512xf32, #tpu.memory_space<hbm>>) target_semaphore(%run_scoped3A : memref<!tpu.dma_semaphore, #tpu.memory_space<semaphore_mem>>)
      %dma_wait3A_45 = tpu.memref_slice %arg10[%add3A_14] : memref<49152xf32, #tpu.memory_space<hbm>> -> memref<512xf32, #tpu.memory_space<hbm>>
      %dma_wait3A_46 = tpu.memref_slice %arg10[%add3A_14] : memref<49152xf32, #tpu.memory_space<hbm>> -> memref<512xf32, #tpu.memory_space<hbm>>
      tpu.wait_dma2 semaphore(%run_scoped3A : memref<!tpu.dma_semaphore, #tpu.memory_space<semaphore_mem>>) src(%arg13 : memref<512xf32, #tpu.memory_space<vmem>>) dst(%dma_wait3A_46 : memref<512xf32, #tpu.memory_space<hbm>>)
      tpu.yield
    }) : () -> ()
    %add3A_15 = arith.constant 114688 : i32
    %add3A_16 = arith.addi %add3A_15, %mul3A_2 : i32
    "tpu.region"() ({
      %run_scoped3A = tpu.sem_alloc : memref<!tpu.dma_semaphore, #tpu.memory_space<semaphore_mem>>
      %dma_start3A_43 = tpu.memref_slice %arg2[%add3A_16] : memref<147456xi32, #tpu.memory_space<hbm>> -> memref<512xi32, #tpu.memory_space<hbm>>
      %dma_start3A_44 = tpu.memref_slice %arg2[%add3A_16] : memref<147456xi32, #tpu.memory_space<hbm>> -> memref<512xi32, #tpu.memory_space<hbm>>
      tpu.enqueue_dma source(%dma_start3A_44 : memref<512xi32, #tpu.memory_space<hbm>>) target(%arg11 : memref<512xi32, #tpu.memory_space<vmem>>) target_semaphore(%run_scoped3A : memref<!tpu.dma_semaphore, #tpu.memory_space<semaphore_mem>>)
      %dma_wait3A_45 = tpu.memref_slice %arg2[%add3A_16] : memref<147456xi32, #tpu.memory_space<hbm>> -> memref<512xi32, #tpu.memory_space<hbm>>
      %dma_wait3A_46 = tpu.memref_slice %arg2[%add3A_16] : memref<147456xi32, #tpu.memory_space<hbm>> -> memref<512xi32, #tpu.memory_space<hbm>>
      tpu.wait_dma2 semaphore(%run_scoped3A : memref<!tpu.dma_semaphore, #tpu.memory_space<semaphore_mem>>) src(%dma_wait3A_46 : memref<512xi32, #tpu.memory_space<hbm>>) dst(%arg11 : memref<512xi32, #tpu.memory_space<vmem>>)
      tpu.yield
    }) : () -> ()
    %dma_start3A_17 = arith.constant 0 : i32
    %dma_start3A_18 = arith.constant 0 : i32
    %dma_start3A_19 = tpu.memref_slice %arg7[%dma_start3A_17, %dma_start3A_18] : memref<100352x16xf32, #tpu.memory_space<hbm>> -> memref<100352x16xf32, #tpu.memory_space<hbm>>
    tpu.enqueue_indirect_dma source(%dma_start3A_19 : memref<100352x16xf32, #tpu.memory_space<hbm>>) target(%arg12 : memref<512x16xf32, #tpu.memory_space<vmem>>) offsets(%arg11 : memref<512xi32, #tpu.memory_space<vmem>>) semaphore(%arg14 : memref<!tpu.dma_semaphore, #tpu.memory_space<semaphore_mem>>)
    %dma_start3A_20 = arith.constant 0 : i32
    %dma_start3A_21 = tpu.memref_slice %arg4[%dma_start3A_20] : memref<100000xf32, #tpu.memory_space<hbm>> -> memref<100000xf32, #tpu.memory_space<hbm>>
    tpu.enqueue_indirect_dma source(%dma_start3A_21 : memref<100000xf32, #tpu.memory_space<hbm>>) target(%arg13 : memref<512xf32, #tpu.memory_space<vmem>>) offsets(%arg11 : memref<512xi32, #tpu.memory_space<vmem>>) semaphore(%arg15 : memref<!tpu.dma_semaphore, #tpu.memory_space<semaphore_mem>>)
    %dma_wait3A_22 = arith.constant 0 : i32
    %dma_wait3A_23 = arith.constant 0 : i32
    %dma_wait3A_24 = tpu.memref_slice %arg7[%dma_wait3A_22, %dma_wait3A_23] : memref<100352x16xf32, #tpu.memory_space<hbm>> -> memref<100352x16xf32, #tpu.memory_space<hbm>>
    tpu.wait_indirect_dma semaphore(%arg14 : memref<!tpu.dma_semaphore, #tpu.memory_space<semaphore_mem>>) src(%dma_wait3A_24 : memref<100352x16xf32, #tpu.memory_space<hbm>>) dst(%arg12 : memref<512x16xf32, #tpu.memory_space<vmem>>)
    "tpu.region"() ({
      %run_scoped3A = tpu.sem_alloc : memref<!tpu.dma_semaphore, #tpu.memory_space<semaphore_mem>>
      %dma_start3A_43 = arith.constant 16 : i32
      %dma_start3A_44 = tpu.memref_slice %arg9[%mul3A_2, %dma_start3A_43] : memref<16384x48xf32, #tpu.memory_space<hbm>> -> memref<512x16xf32, #tpu.memory_space<hbm>>
      %dma_start3A_45 = arith.constant 16 : i32
      %dma_start3A_46 = tpu.memref_slice %arg9[%mul3A_2, %dma_start3A_45] : memref<16384x48xf32, #tpu.memory_space<hbm>> -> memref<512x16xf32, #tpu.memory_space<hbm>>
      tpu.enqueue_dma source(%arg12 : memref<512x16xf32, #tpu.memory_space<vmem>>) target(%dma_start3A_46 : memref<512x16xf32, #tpu.memory_space<hbm>>) target_semaphore(%run_scoped3A : memref<!tpu.dma_semaphore, #tpu.memory_space<semaphore_mem>>)
      %dma_wait3A_47 = arith.constant 16 : i32
      %dma_wait3A_48 = tpu.memref_slice %arg9[%mul3A_2, %dma_wait3A_47] : memref<16384x48xf32, #tpu.memory_space<hbm>> -> memref<512x16xf32, #tpu.memory_space<hbm>>
      %dma_wait3A_49 = arith.constant 16 : i32
      %dma_wait3A_50 = tpu.memref_slice %arg9[%mul3A_2, %dma_wait3A_49] : memref<16384x48xf32, #tpu.memory_space<hbm>> -> memref<512x16xf32, #tpu.memory_space<hbm>>
      tpu.wait_dma2 semaphore(%run_scoped3A : memref<!tpu.dma_semaphore, #tpu.memory_space<semaphore_mem>>) src(%arg12 : memref<512x16xf32, #tpu.memory_space<vmem>>) dst(%dma_wait3A_50 : memref<512x16xf32, #tpu.memory_space<hbm>>)
      tpu.yield
    }) : () -> ()
    %dma_wait3A_25 = arith.constant 0 : i32
    %dma_wait3A_26 = tpu.memref_slice %arg4[%dma_wait3A_25] : memref<100000xf32, #tpu.memory_space<hbm>> -> memref<100000xf32, #tpu.memory_space<hbm>>
    tpu.wait_indirect_dma semaphore(%arg15 : memref<!tpu.dma_semaphore, #tpu.memory_space<semaphore_mem>>) src(%dma_wait3A_26 : memref<100000xf32, #tpu.memory_space<hbm>>) dst(%arg13 : memref<512xf32, #tpu.memory_space<vmem>>)
    %add3A_27 = arith.constant 16384 : i32
    %add3A_28 = arith.addi %add3A_27, %mul3A_2 : i32
    "tpu.region"() ({
      %run_scoped3A = tpu.sem_alloc : memref<!tpu.dma_semaphore, #tpu.memory_space<semaphore_mem>>
      %dma_start3A_43 = tpu.memref_slice %arg10[%add3A_28] : memref<49152xf32, #tpu.memory_space<hbm>> -> memref<512xf32, #tpu.memory_space<hbm>>
      %dma_start3A_44 = tpu.memref_slice %arg10[%add3A_28] : memref<49152xf32, #tpu.memory_space<hbm>> -> memref<512xf32, #tpu.memory_space<hbm>>
      tpu.enqueue_dma source(%arg13 : memref<512xf32, #tpu.memory_space<vmem>>) target(%dma_start3A_44 : memref<512xf32, #tpu.memory_space<hbm>>) target_semaphore(%run_scoped3A : memref<!tpu.dma_semaphore, #tpu.memory_space<semaphore_mem>>)
      %dma_wait3A_45 = tpu.memref_slice %arg10[%add3A_28] : memref<49152xf32, #tpu.memory_space<hbm>> -> memref<512xf32, #tpu.memory_space<hbm>>
      %dma_wait3A_46 = tpu.memref_slice %arg10[%add3A_28] : memref<49152xf32, #tpu.memory_space<hbm>> -> memref<512xf32, #tpu.memory_space<hbm>>
      tpu.wait_dma2 semaphore(%run_scoped3A : memref<!tpu.dma_semaphore, #tpu.memory_space<semaphore_mem>>) src(%arg13 : memref<512xf32, #tpu.memory_space<vmem>>) dst(%dma_wait3A_46 : memref<512xf32, #tpu.memory_space<hbm>>)
      tpu.yield
    }) : () -> ()
    %add3A_29 = arith.constant 131072 : i32
    %add3A_30 = arith.addi %add3A_29, %mul3A_2 : i32
    "tpu.region"() ({
      %run_scoped3A = tpu.sem_alloc : memref<!tpu.dma_semaphore, #tpu.memory_space<semaphore_mem>>
      %dma_start3A_43 = tpu.memref_slice %arg2[%add3A_30] : memref<147456xi32, #tpu.memory_space<hbm>> -> memref<512xi32, #tpu.memory_space<hbm>>
      %dma_start3A_44 = tpu.memref_slice %arg2[%add3A_30] : memref<147456xi32, #tpu.memory_space<hbm>> -> memref<512xi32, #tpu.memory_space<hbm>>
      tpu.enqueue_dma source(%dma_start3A_44 : memref<512xi32, #tpu.memory_space<hbm>>) target(%arg11 : memref<512xi32, #tpu.memory_space<vmem>>) target_semaphore(%run_scoped3A : memref<!tpu.dma_semaphore, #tpu.memory_space<semaphore_mem>>)
      %dma_wait3A_45 = tpu.memref_slice %arg2[%add3A_30] : memref<147456xi32, #tpu.memory_space<hbm>> -> memref<512xi32, #tpu.memory_space<hbm>>
      %dma_wait3A_46 = tpu.memref_slice %arg2[%add3A_30] : memref<147456xi32, #tpu.memory_space<hbm>> -> memref<512xi32, #tpu.memory_space<hbm>>
      tpu.wait_dma2 semaphore(%run_scoped3A : memref<!tpu.dma_semaphore, #tpu.memory_space<semaphore_mem>>) src(%dma_wait3A_46 : memref<512xi32, #tpu.memory_space<hbm>>) dst(%arg11 : memref<512xi32, #tpu.memory_space<vmem>>)
      tpu.yield
    }) : () -> ()
    %dma_start3A_31 = arith.constant 0 : i32
    %dma_start3A_32 = arith.constant 0 : i32
    %dma_start3A_33 = tpu.memref_slice %arg8[%dma_start3A_31, %dma_start3A_32] : memref<100352x16xf32, #tpu.memory_space<hbm>> -> memref<100352x16xf32, #tpu.memory_space<hbm>>
    tpu.enqueue_indirect_dma source(%dma_start3A_33 : memref<100352x16xf32, #tpu.memory_space<hbm>>) target(%arg12 : memref<512x16xf32, #tpu.memory_space<vmem>>) offsets(%arg11 : memref<512xi32, #tpu.memory_space<vmem>>) semaphore(%arg14 : memref<!tpu.dma_semaphore, #tpu.memory_space<semaphore_mem>>)
    %dma_start3A_34 = arith.constant 0 : i32
    %dma_start3A_35 = tpu.memref_slice %arg5[%dma_start3A_34] : memref<100000xf32, #tpu.memory_space<hbm>> -> memref<100000xf32, #tpu.memory_space<hbm>>
    tpu.enqueue_indirect_dma source(%dma_start3A_35 : memref<100000xf32, #tpu.memory_space<hbm>>) target(%arg13 : memref<512xf32, #tpu.memory_space<vmem>>) offsets(%arg11 : memref<512xi32, #tpu.memory_space<vmem>>) semaphore(%arg15 : memref<!tpu.dma_semaphore, #tpu.memory_space<semaphore_mem>>)
    %dma_wait3A_36 = arith.constant 0 : i32
    %dma_wait3A_37 = arith.constant 0 : i32
    %dma_wait3A_38 = tpu.memref_slice %arg8[%dma_wait3A_36, %dma_wait3A_37] : memref<100352x16xf32, #tpu.memory_space<hbm>> -> memref<100352x16xf32, #tpu.memory_space<hbm>>
    tpu.wait_indirect_dma semaphore(%arg14 : memref<!tpu.dma_semaphore, #tpu.memory_space<semaphore_mem>>) src(%dma_wait3A_38 : memref<100352x16xf32, #tpu.memory_space<hbm>>) dst(%arg12 : memref<512x16xf32, #tpu.memory_space<vmem>>)
    "tpu.region"() ({
      %run_scoped3A = tpu.sem_alloc : memref<!tpu.dma_semaphore, #tpu.memory_space<semaphore_mem>>
      %dma_start3A_43 = arith.constant 32 : i32
      %dma_start3A_44 = tpu.memref_slice %arg9[%mul3A_2, %dma_start3A_43] : memref<16384x48xf32, #tpu.memory_space<hbm>> -> memref<512x16xf32, #tpu.memory_space<hbm>>
      %dma_start3A_45 = arith.constant 32 : i32
      %dma_start3A_46 = tpu.memref_slice %arg9[%mul3A_2, %dma_start3A_45] : memref<16384x48xf32, #tpu.memory_space<hbm>> -> memref<512x16xf32, #tpu.memory_space<hbm>>
      tpu.enqueue_dma source(%arg12 : memref<512x16xf32, #tpu.memory_space<vmem>>) target(%dma_start3A_46 : memref<512x16xf32, #tpu.memory_space<hbm>>) target_semaphore(%run_scoped3A : memref<!tpu.dma_semaphore, #tpu.memory_space<semaphore_mem>>)
      %dma_wait3A_47 = arith.constant 32 : i32
      %dma_wait3A_48 = tpu.memref_slice %arg9[%mul3A_2, %dma_wait3A_47] : memref<16384x48xf32, #tpu.memory_space<hbm>> -> memref<512x16xf32, #tpu.memory_space<hbm>>
      %dma_wait3A_49 = arith.constant 32 : i32
      %dma_wait3A_50 = tpu.memref_slice %arg9[%mul3A_2, %dma_wait3A_49] : memref<16384x48xf32, #tpu.memory_space<hbm>> -> memref<512x16xf32, #tpu.memory_space<hbm>>
      tpu.wait_dma2 semaphore(%run_scoped3A : memref<!tpu.dma_semaphore, #tpu.memory_space<semaphore_mem>>) src(%arg12 : memref<512x16xf32, #tpu.memory_space<vmem>>) dst(%dma_wait3A_50 : memref<512x16xf32, #tpu.memory_space<hbm>>)
      tpu.yield
    }) : () -> ()
    %dma_wait3A_39 = arith.constant 0 : i32
    %dma_wait3A_40 = tpu.memref_slice %arg5[%dma_wait3A_39] : memref<100000xf32, #tpu.memory_space<hbm>> -> memref<100000xf32, #tpu.memory_space<hbm>>
    tpu.wait_indirect_dma semaphore(%arg15 : memref<!tpu.dma_semaphore, #tpu.memory_space<semaphore_mem>>) src(%dma_wait3A_40 : memref<100000xf32, #tpu.memory_space<hbm>>) dst(%arg13 : memref<512xf32, #tpu.memory_space<vmem>>)
    %add3A_41 = arith.constant 32768 : i32
    %add3A_42 = arith.addi %add3A_41, %mul3A_2 : i32
    "tpu.region"() ({
      %run_scoped3A = tpu.sem_alloc : memref<!tpu.dma_semaphore, #tpu.memory_space<semaphore_mem>>
      %dma_start3A_43 = tpu.memref_slice %arg10[%add3A_42] : memref<49152xf32, #tpu.memory_space<hbm>> -> memref<512xf32, #tpu.memory_space<hbm>>
      %dma_start3A_44 = tpu.memref_slice %arg10[%add3A_42] : memref<49152xf32, #tpu.memory_space<hbm>> -> memref<512xf32, #tpu.memory_space<hbm>>
      tpu.enqueue_dma source(%arg13 : memref<512xf32, #tpu.memory_space<vmem>>) target(%dma_start3A_44 : memref<512xf32, #tpu.memory_space<hbm>>) target_semaphore(%run_scoped3A : memref<!tpu.dma_semaphore, #tpu.memory_space<semaphore_mem>>)
      %dma_wait3A_45 = tpu.memref_slice %arg10[%add3A_42] : memref<49152xf32, #tpu.memory_space<hbm>> -> memref<512xf32, #tpu.memory_space<hbm>>
      %dma_wait3A_46 = tpu.memref_slice %arg10[%add3A_42] : memref<49152xf32, #tpu.memory_space<hbm>> -> memref<512xf32, #tpu.memory_space<hbm>>
      tpu.wait_dma2 semaphore(%run_scoped3A : memref<!tpu.dma_semaphore, #tpu.memory_space<semaphore_mem>>) src(%arg13 : memref<512xf32, #tpu.memory_space<vmem>>) dst(%dma_wait3A_46 : memref<512xf32, #tpu.memory_space<hbm>>)
      tpu.yield
    }) : () -> ()
    return
  }
}

#map = affine_map<(d0, d1) -> (0)>
#map1 = affine_map<(d0, d1) -> (0, 0)>
module attributes {stable_mosaic.version = 14 : i64} {
  func.func @body(%arg0: i32, %arg1: i32, %arg2: memref<147456xi32, #tpu.memory_space<hbm>>, %arg3: memref<100000xf32, #tpu.memory_space<hbm>>, %arg4: memref<100000xf32, #tpu.memory_space<hbm>>, %arg5: memref<100000xf32, #tpu.memory_space<hbm>>, %arg6: memref<100352x16xf32, #tpu.memory_space<hbm>>, %arg7: memref<100352x16xf32, #tpu.memory_space<hbm>>, %arg8: memref<100352x16xf32, #tpu.memory_space<hbm>>, %arg9: memref<16384x48xf32, #tpu.memory_space<hbm>>, %arg10: memref<49152xf32, #tpu.memory_space<hbm>>, %arg11: memref<512xi32, #tpu.memory_space<vmem>>, %arg12: memref<512x16xf32, #tpu.memory_space<vmem>>, %arg13: memref<512xf32, #tpu.memory_space<vmem>>, %arg14: memref<!tpu.dma_semaphore, #tpu.memory_space<semaphore_mem>>, %arg15: memref<!tpu.dma_semaphore, #tpu.memory_space<semaphore_mem>>) attributes {dimension_semantics = [#tpu.dimension_semantics<core_parallel>, #tpu.dimension_semantics<subcore_parallel>], iteration_bounds = array<i64: 2, 16>, scalar_prefetch = 0 : i64, scratch_operands = 5 : i64, tpu.core_type = #tpu.core_type<sc_vector_subcore>, window_params = [{transform_indices = #map}, {transform_indices = #map}, {transform_indices = #map}, {transform_indices = #map}, {transform_indices = #map1}, {transform_indices = #map1}, {transform_indices = #map1}, {transform_indices = #map1}, {transform_indices = #map}]} {
    %mul3A = arith.constant 2 : i32
    %mul3A_0 = arith.muli %arg1, %mul3A : i32
    %add3A = arith.addi %mul3A_0, %arg0 : i32
    %mul3A_1 = arith.constant 512 : i32
    %mul3A_2 = arith.muli %add3A, %mul3A_1 : i32
    %add3A_3 = arith.constant 49152 : i32
    %add3A_4 = arith.addi %add3A_3, %mul3A_2 : i32
    "tpu.region"() ({
      %run_scoped3A = tpu.sem_alloc : memref<!tpu.dma_semaphore, #tpu.memory_space<semaphore_mem>>
      %dma_start3A_43 = tpu.memref_slice %arg2[%add3A_4] : memref<147456xi32, #tpu.memory_space<hbm>> -> memref<512xi32, #tpu.memory_space<hbm>>
      %dma_start3A_44 = tpu.memref_slice %arg2[%add3A_4] : memref<147456xi32, #tpu.memory_space<hbm>> -> memref<512xi32, #tpu.memory_space<hbm>>
      tpu.enqueue_dma source(%dma_start3A_44 : memref<512xi32, #tpu.memory_space<hbm>>) target(%arg11 : memref<512xi32, #tpu.memory_space<vmem>>) target_semaphore(%run_scoped3A : memref<!tpu.dma_semaphore, #tpu.memory_space<semaphore_mem>>)
      %dma_wait3A_45 = tpu.memref_slice %arg2[%add3A_4] : memref<147456xi32, #tpu.memory_space<hbm>> -> memref<512xi32, #tpu.memory_space<hbm>>
      %dma_wait3A_46 = tpu.memref_slice %arg2[%add3A_4] : memref<147456xi32, #tpu.memory_space<hbm>> -> memref<512xi32, #tpu.memory_space<hbm>>
      tpu.wait_dma2 semaphore(%run_scoped3A : memref<!tpu.dma_semaphore, #tpu.memory_space<semaphore_mem>>) src(%dma_wait3A_46 : memref<512xi32, #tpu.memory_space<hbm>>) dst(%arg11 : memref<512xi32, #tpu.memory_space<vmem>>)
      tpu.yield
    }) : () -> ()
    %dma_start3A = arith.constant 0 : i32
    %dma_start3A_5 = arith.constant 0 : i32
    %dma_start3A_6 = tpu.memref_slice %arg6[%dma_start3A, %dma_start3A_5] : memref<100352x16xf32, #tpu.memory_space<hbm>> -> memref<100352x16xf32, #tpu.memory_space<hbm>>
    tpu.enqueue_indirect_dma source(%dma_start3A_6 : memref<100352x16xf32, #tpu.memory_space<hbm>>) target(%arg12 : memref<512x16xf32, #tpu.memory_space<vmem>>) offsets(%arg11 : memref<512xi32, #tpu.memory_space<vmem>>) semaphore(%arg14 : memref<!tpu.dma_semaphore, #tpu.memory_space<semaphore_mem>>)
    %dma_start3A_7 = arith.constant 0 : i32
    %dma_start3A_8 = tpu.memref_slice %arg3[%dma_start3A_7] : memref<100000xf32, #tpu.memory_space<hbm>> -> memref<100000xf32, #tpu.memory_space<hbm>>
    tpu.enqueue_indirect_dma source(%dma_start3A_8 : memref<100000xf32, #tpu.memory_space<hbm>>) target(%arg13 : memref<512xf32, #tpu.memory_space<vmem>>) offsets(%arg11 : memref<512xi32, #tpu.memory_space<vmem>>) semaphore(%arg15 : memref<!tpu.dma_semaphore, #tpu.memory_space<semaphore_mem>>)
    %dma_wait3A = arith.constant 0 : i32
    %dma_wait3A_9 = arith.constant 0 : i32
    %dma_wait3A_10 = tpu.memref_slice %arg6[%dma_wait3A, %dma_wait3A_9] : memref<100352x16xf32, #tpu.memory_space<hbm>> -> memref<100352x16xf32, #tpu.memory_space<hbm>>
    tpu.wait_indirect_dma semaphore(%arg14 : memref<!tpu.dma_semaphore, #tpu.memory_space<semaphore_mem>>) src(%dma_wait3A_10 : memref<100352x16xf32, #tpu.memory_space<hbm>>) dst(%arg12 : memref<512x16xf32, #tpu.memory_space<vmem>>)
    "tpu.region"() ({
      %run_scoped3A = tpu.sem_alloc : memref<!tpu.dma_semaphore, #tpu.memory_space<semaphore_mem>>
      %dma_start3A_43 = arith.constant 0 : i32
      %dma_start3A_44 = tpu.memref_slice %arg9[%mul3A_2, %dma_start3A_43] : memref<16384x48xf32, #tpu.memory_space<hbm>> -> memref<512x16xf32, #tpu.memory_space<hbm>>
      %dma_start3A_45 = arith.constant 0 : i32
      %dma_start3A_46 = tpu.memref_slice %arg9[%mul3A_2, %dma_start3A_45] : memref<16384x48xf32, #tpu.memory_space<hbm>> -> memref<512x16xf32, #tpu.memory_space<hbm>>
      tpu.enqueue_dma source(%arg12 : memref<512x16xf32, #tpu.memory_space<vmem>>) target(%dma_start3A_46 : memref<512x16xf32, #tpu.memory_space<hbm>>) target_semaphore(%run_scoped3A : memref<!tpu.dma_semaphore, #tpu.memory_space<semaphore_mem>>)
      %dma_wait3A_47 = arith.constant 0 : i32
      %dma_wait3A_48 = tpu.memref_slice %arg9[%mul3A_2, %dma_wait3A_47] : memref<16384x48xf32, #tpu.memory_space<hbm>> -> memref<512x16xf32, #tpu.memory_space<hbm>>
      %dma_wait3A_49 = arith.constant 0 : i32
      %dma_wait3A_50 = tpu.memref_slice %arg9[%mul3A_2, %dma_wait3A_49] : memref<16384x48xf32, #tpu.memory_space<hbm>> -> memref<512x16xf32, #tpu.memory_space<hbm>>
      tpu.wait_dma2 semaphore(%run_scoped3A : memref<!tpu.dma_semaphore, #tpu.memory_space<semaphore_mem>>) src(%arg12 : memref<512x16xf32, #tpu.memory_space<vmem>>) dst(%dma_wait3A_50 : memref<512x16xf32, #tpu.memory_space<hbm>>)
      tpu.yield
    }) : () -> ()
    %dma_wait3A_11 = arith.constant 0 : i32
    %dma_wait3A_12 = tpu.memref_slice %arg3[%dma_wait3A_11] : memref<100000xf32, #tpu.memory_space<hbm>> -> memref<100000xf32, #tpu.memory_space<hbm>>
    tpu.wait_indirect_dma semaphore(%arg15 : memref<!tpu.dma_semaphore, #tpu.memory_space<semaphore_mem>>) src(%dma_wait3A_12 : memref<100000xf32, #tpu.memory_space<hbm>>) dst(%arg13 : memref<512xf32, #tpu.memory_space<vmem>>)
    %add3A_13 = arith.constant 0 : i32
    %add3A_14 = arith.addi %add3A_13, %mul3A_2 : i32
    "tpu.region"() ({
      %run_scoped3A = tpu.sem_alloc : memref<!tpu.dma_semaphore, #tpu.memory_space<semaphore_mem>>
      %dma_start3A_43 = tpu.memref_slice %arg10[%add3A_14] : memref<49152xf32, #tpu.memory_space<hbm>> -> memref<512xf32, #tpu.memory_space<hbm>>
      %dma_start3A_44 = tpu.memref_slice %arg10[%add3A_14] : memref<49152xf32, #tpu.memory_space<hbm>> -> memref<512xf32, #tpu.memory_space<hbm>>
      tpu.enqueue_dma source(%arg13 : memref<512xf32, #tpu.memory_space<vmem>>) target(%dma_start3A_44 : memref<512xf32, #tpu.memory_space<hbm>>) target_semaphore(%run_scoped3A : memref<!tpu.dma_semaphore, #tpu.memory_space<semaphore_mem>>)
      %dma_wait3A_45 = tpu.memref_slice %arg10[%add3A_14] : memref<49152xf32, #tpu.memory_space<hbm>> -> memref<512xf32, #tpu.memory_space<hbm>>
      %dma_wait3A_46 = tpu.memref_slice %arg10[%add3A_14] : memref<49152xf32, #tpu.memory_space<hbm>> -> memref<512xf32, #tpu.memory_space<hbm>>
      tpu.wait_dma2 semaphore(%run_scoped3A : memref<!tpu.dma_semaphore, #tpu.memory_space<semaphore_mem>>) src(%arg13 : memref<512xf32, #tpu.memory_space<vmem>>) dst(%dma_wait3A_46 : memref<512xf32, #tpu.memory_space<hbm>>)
      tpu.yield
    }) : () -> ()
    %add3A_15 = arith.constant 65536 : i32
    %add3A_16 = arith.addi %add3A_15, %mul3A_2 : i32
    "tpu.region"() ({
      %run_scoped3A = tpu.sem_alloc : memref<!tpu.dma_semaphore, #tpu.memory_space<semaphore_mem>>
      %dma_start3A_43 = tpu.memref_slice %arg2[%add3A_16] : memref<147456xi32, #tpu.memory_space<hbm>> -> memref<512xi32, #tpu.memory_space<hbm>>
      %dma_start3A_44 = tpu.memref_slice %arg2[%add3A_16] : memref<147456xi32, #tpu.memory_space<hbm>> -> memref<512xi32, #tpu.memory_space<hbm>>
      tpu.enqueue_dma source(%dma_start3A_44 : memref<512xi32, #tpu.memory_space<hbm>>) target(%arg11 : memref<512xi32, #tpu.memory_space<vmem>>) target_semaphore(%run_scoped3A : memref<!tpu.dma_semaphore, #tpu.memory_space<semaphore_mem>>)
      %dma_wait3A_45 = tpu.memref_slice %arg2[%add3A_16] : memref<147456xi32, #tpu.memory_space<hbm>> -> memref<512xi32, #tpu.memory_space<hbm>>
      %dma_wait3A_46 = tpu.memref_slice %arg2[%add3A_16] : memref<147456xi32, #tpu.memory_space<hbm>> -> memref<512xi32, #tpu.memory_space<hbm>>
      tpu.wait_dma2 semaphore(%run_scoped3A : memref<!tpu.dma_semaphore, #tpu.memory_space<semaphore_mem>>) src(%dma_wait3A_46 : memref<512xi32, #tpu.memory_space<hbm>>) dst(%arg11 : memref<512xi32, #tpu.memory_space<vmem>>)
      tpu.yield
    }) : () -> ()
    %dma_start3A_17 = arith.constant 0 : i32
    %dma_start3A_18 = arith.constant 0 : i32
    %dma_start3A_19 = tpu.memref_slice %arg7[%dma_start3A_17, %dma_start3A_18] : memref<100352x16xf32, #tpu.memory_space<hbm>> -> memref<100352x16xf32, #tpu.memory_space<hbm>>
    tpu.enqueue_indirect_dma source(%dma_start3A_19 : memref<100352x16xf32, #tpu.memory_space<hbm>>) target(%arg12 : memref<512x16xf32, #tpu.memory_space<vmem>>) offsets(%arg11 : memref<512xi32, #tpu.memory_space<vmem>>) semaphore(%arg14 : memref<!tpu.dma_semaphore, #tpu.memory_space<semaphore_mem>>)
    %dma_start3A_20 = arith.constant 0 : i32
    %dma_start3A_21 = tpu.memref_slice %arg4[%dma_start3A_20] : memref<100000xf32, #tpu.memory_space<hbm>> -> memref<100000xf32, #tpu.memory_space<hbm>>
    tpu.enqueue_indirect_dma source(%dma_start3A_21 : memref<100000xf32, #tpu.memory_space<hbm>>) target(%arg13 : memref<512xf32, #tpu.memory_space<vmem>>) offsets(%arg11 : memref<512xi32, #tpu.memory_space<vmem>>) semaphore(%arg15 : memref<!tpu.dma_semaphore, #tpu.memory_space<semaphore_mem>>)
    %dma_wait3A_22 = arith.constant 0 : i32
    %dma_wait3A_23 = arith.constant 0 : i32
    %dma_wait3A_24 = tpu.memref_slice %arg7[%dma_wait3A_22, %dma_wait3A_23] : memref<100352x16xf32, #tpu.memory_space<hbm>> -> memref<100352x16xf32, #tpu.memory_space<hbm>>
    tpu.wait_indirect_dma semaphore(%arg14 : memref<!tpu.dma_semaphore, #tpu.memory_space<semaphore_mem>>) src(%dma_wait3A_24 : memref<100352x16xf32, #tpu.memory_space<hbm>>) dst(%arg12 : memref<512x16xf32, #tpu.memory_space<vmem>>)
    "tpu.region"() ({
      %run_scoped3A = tpu.sem_alloc : memref<!tpu.dma_semaphore, #tpu.memory_space<semaphore_mem>>
      %dma_start3A_43 = arith.constant 16 : i32
      %dma_start3A_44 = tpu.memref_slice %arg9[%mul3A_2, %dma_start3A_43] : memref<16384x48xf32, #tpu.memory_space<hbm>> -> memref<512x16xf32, #tpu.memory_space<hbm>>
      %dma_start3A_45 = arith.constant 16 : i32
      %dma_start3A_46 = tpu.memref_slice %arg9[%mul3A_2, %dma_start3A_45] : memref<16384x48xf32, #tpu.memory_space<hbm>> -> memref<512x16xf32, #tpu.memory_space<hbm>>
      tpu.enqueue_dma source(%arg12 : memref<512x16xf32, #tpu.memory_space<vmem>>) target(%dma_start3A_46 : memref<512x16xf32, #tpu.memory_space<hbm>>) target_semaphore(%run_scoped3A : memref<!tpu.dma_semaphore, #tpu.memory_space<semaphore_mem>>)
      %dma_wait3A_47 = arith.constant 16 : i32
      %dma_wait3A_48 = tpu.memref_slice %arg9[%mul3A_2, %dma_wait3A_47] : memref<16384x48xf32, #tpu.memory_space<hbm>> -> memref<512x16xf32, #tpu.memory_space<hbm>>
      %dma_wait3A_49 = arith.constant 16 : i32
      %dma_wait3A_50 = tpu.memref_slice %arg9[%mul3A_2, %dma_wait3A_49] : memref<16384x48xf32, #tpu.memory_space<hbm>> -> memref<512x16xf32, #tpu.memory_space<hbm>>
      tpu.wait_dma2 semaphore(%run_scoped3A : memref<!tpu.dma_semaphore, #tpu.memory_space<semaphore_mem>>) src(%arg12 : memref<512x16xf32, #tpu.memory_space<vmem>>) dst(%dma_wait3A_50 : memref<512x16xf32, #tpu.memory_space<hbm>>)
      tpu.yield
    }) : () -> ()
    %dma_wait3A_25 = arith.constant 0 : i32
    %dma_wait3A_26 = tpu.memref_slice %arg4[%dma_wait3A_25] : memref<100000xf32, #tpu.memory_space<hbm>> -> memref<100000xf32, #tpu.memory_space<hbm>>
    tpu.wait_indirect_dma semaphore(%arg15 : memref<!tpu.dma_semaphore, #tpu.memory_space<semaphore_mem>>) src(%dma_wait3A_26 : memref<100000xf32, #tpu.memory_space<hbm>>) dst(%arg13 : memref<512xf32, #tpu.memory_space<vmem>>)
    %add3A_27 = arith.constant 16384 : i32
    %add3A_28 = arith.addi %add3A_27, %mul3A_2 : i32
    "tpu.region"() ({
      %run_scoped3A = tpu.sem_alloc : memref<!tpu.dma_semaphore, #tpu.memory_space<semaphore_mem>>
      %dma_start3A_43 = tpu.memref_slice %arg10[%add3A_28] : memref<49152xf32, #tpu.memory_space<hbm>> -> memref<512xf32, #tpu.memory_space<hbm>>
      %dma_start3A_44 = tpu.memref_slice %arg10[%add3A_28] : memref<49152xf32, #tpu.memory_space<hbm>> -> memref<512xf32, #tpu.memory_space<hbm>>
      tpu.enqueue_dma source(%arg13 : memref<512xf32, #tpu.memory_space<vmem>>) target(%dma_start3A_44 : memref<512xf32, #tpu.memory_space<hbm>>) target_semaphore(%run_scoped3A : memref<!tpu.dma_semaphore, #tpu.memory_space<semaphore_mem>>)
      %dma_wait3A_45 = tpu.memref_slice %arg10[%add3A_28] : memref<49152xf32, #tpu.memory_space<hbm>> -> memref<512xf32, #tpu.memory_space<hbm>>
      %dma_wait3A_46 = tpu.memref_slice %arg10[%add3A_28] : memref<49152xf32, #tpu.memory_space<hbm>> -> memref<512xf32, #tpu.memory_space<hbm>>
      tpu.wait_dma2 semaphore(%run_scoped3A : memref<!tpu.dma_semaphore, #tpu.memory_space<semaphore_mem>>) src(%arg13 : memref<512xf32, #tpu.memory_space<vmem>>) dst(%dma_wait3A_46 : memref<512xf32, #tpu.memory_space<hbm>>)
      tpu.yield
    }) : () -> ()
    %add3A_29 = arith.constant 81920 : i32
    %add3A_30 = arith.addi %add3A_29, %mul3A_2 : i32
    "tpu.region"() ({
      %run_scoped3A = tpu.sem_alloc : memref<!tpu.dma_semaphore, #tpu.memory_space<semaphore_mem>>
      %dma_start3A_43 = tpu.memref_slice %arg2[%add3A_30] : memref<147456xi32, #tpu.memory_space<hbm>> -> memref<512xi32, #tpu.memory_space<hbm>>
      %dma_start3A_44 = tpu.memref_slice %arg2[%add3A_30] : memref<147456xi32, #tpu.memory_space<hbm>> -> memref<512xi32, #tpu.memory_space<hbm>>
      tpu.enqueue_dma source(%dma_start3A_44 : memref<512xi32, #tpu.memory_space<hbm>>) target(%arg11 : memref<512xi32, #tpu.memory_space<vmem>>) target_semaphore(%run_scoped3A : memref<!tpu.dma_semaphore, #tpu.memory_space<semaphore_mem>>)
      %dma_wait3A_45 = tpu.memref_slice %arg2[%add3A_30] : memref<147456xi32, #tpu.memory_space<hbm>> -> memref<512xi32, #tpu.memory_space<hbm>>
      %dma_wait3A_46 = tpu.memref_slice %arg2[%add3A_30] : memref<147456xi32, #tpu.memory_space<hbm>> -> memref<512xi32, #tpu.memory_space<hbm>>
      tpu.wait_dma2 semaphore(%run_scoped3A : memref<!tpu.dma_semaphore, #tpu.memory_space<semaphore_mem>>) src(%dma_wait3A_46 : memref<512xi32, #tpu.memory_space<hbm>>) dst(%arg11 : memref<512xi32, #tpu.memory_space<vmem>>)
      tpu.yield
    }) : () -> ()
    %dma_start3A_31 = arith.constant 0 : i32
    %dma_start3A_32 = arith.constant 0 : i32
    %dma_start3A_33 = tpu.memref_slice %arg8[%dma_start3A_31, %dma_start3A_32] : memref<100352x16xf32, #tpu.memory_space<hbm>> -> memref<100352x16xf32, #tpu.memory_space<hbm>>
    tpu.enqueue_indirect_dma source(%dma_start3A_33 : memref<100352x16xf32, #tpu.memory_space<hbm>>) target(%arg12 : memref<512x16xf32, #tpu.memory_space<vmem>>) offsets(%arg11 : memref<512xi32, #tpu.memory_space<vmem>>) semaphore(%arg14 : memref<!tpu.dma_semaphore, #tpu.memory_space<semaphore_mem>>)
    %dma_start3A_34 = arith.constant 0 : i32
    %dma_start3A_35 = tpu.memref_slice %arg5[%dma_start3A_34] : memref<100000xf32, #tpu.memory_space<hbm>> -> memref<100000xf32, #tpu.memory_space<hbm>>
    tpu.enqueue_indirect_dma source(%dma_start3A_35 : memref<100000xf32, #tpu.memory_space<hbm>>) target(%arg13 : memref<512xf32, #tpu.memory_space<vmem>>) offsets(%arg11 : memref<512xi32, #tpu.memory_space<vmem>>) semaphore(%arg15 : memref<!tpu.dma_semaphore, #tpu.memory_space<semaphore_mem>>)
    %dma_wait3A_36 = arith.constant 0 : i32
    %dma_wait3A_37 = arith.constant 0 : i32
    %dma_wait3A_38 = tpu.memref_slice %arg8[%dma_wait3A_36, %dma_wait3A_37] : memref<100352x16xf32, #tpu.memory_space<hbm>> -> memref<100352x16xf32, #tpu.memory_space<hbm>>
    tpu.wait_indirect_dma semaphore(%arg14 : memref<!tpu.dma_semaphore, #tpu.memory_space<semaphore_mem>>) src(%dma_wait3A_38 : memref<100352x16xf32, #tpu.memory_space<hbm>>) dst(%arg12 : memref<512x16xf32, #tpu.memory_space<vmem>>)
    "tpu.region"() ({
      %run_scoped3A = tpu.sem_alloc : memref<!tpu.dma_semaphore, #tpu.memory_space<semaphore_mem>>
      %dma_start3A_43 = arith.constant 32 : i32
      %dma_start3A_44 = tpu.memref_slice %arg9[%mul3A_2, %dma_start3A_43] : memref<16384x48xf32, #tpu.memory_space<hbm>> -> memref<512x16xf32, #tpu.memory_space<hbm>>
      %dma_start3A_45 = arith.constant 32 : i32
      %dma_start3A_46 = tpu.memref_slice %arg9[%mul3A_2, %dma_start3A_45] : memref<16384x48xf32, #tpu.memory_space<hbm>> -> memref<512x16xf32, #tpu.memory_space<hbm>>
      tpu.enqueue_dma source(%arg12 : memref<512x16xf32, #tpu.memory_space<vmem>>) target(%dma_start3A_46 : memref<512x16xf32, #tpu.memory_space<hbm>>) target_semaphore(%run_scoped3A : memref<!tpu.dma_semaphore, #tpu.memory_space<semaphore_mem>>)
      %dma_wait3A_47 = arith.constant 32 : i32
      %dma_wait3A_48 = tpu.memref_slice %arg9[%mul3A_2, %dma_wait3A_47] : memref<16384x48xf32, #tpu.memory_space<hbm>> -> memref<512x16xf32, #tpu.memory_space<hbm>>
      %dma_wait3A_49 = arith.constant 32 : i32
      %dma_wait3A_50 = tpu.memref_slice %arg9[%mul3A_2, %dma_wait3A_49] : memref<16384x48xf32, #tpu.memory_space<hbm>> -> memref<512x16xf32, #tpu.memory_space<hbm>>
      tpu.wait_dma2 semaphore(%run_scoped3A : memref<!tpu.dma_semaphore, #tpu.memory_space<semaphore_mem>>) src(%arg12 : memref<512x16xf32, #tpu.memory_space<vmem>>) dst(%dma_wait3A_50 : memref<512x16xf32, #tpu.memory_space<hbm>>)
      tpu.yield
    }) : () -> ()
    %dma_wait3A_39 = arith.constant 0 : i32
    %dma_wait3A_40 = tpu.memref_slice %arg5[%dma_wait3A_39] : memref<100000xf32, #tpu.memory_space<hbm>> -> memref<100000xf32, #tpu.memory_space<hbm>>
    tpu.wait_indirect_dma semaphore(%arg15 : memref<!tpu.dma_semaphore, #tpu.memory_space<semaphore_mem>>) src(%dma_wait3A_40 : memref<100000xf32, #tpu.memory_space<hbm>>) dst(%arg13 : memref<512xf32, #tpu.memory_space<vmem>>)
    %add3A_41 = arith.constant 32768 : i32
    %add3A_42 = arith.addi %add3A_41, %mul3A_2 : i32
    "tpu.region"() ({
      %run_scoped3A = tpu.sem_alloc : memref<!tpu.dma_semaphore, #tpu.memory_space<semaphore_mem>>
      %dma_start3A_43 = tpu.memref_slice %arg10[%add3A_42] : memref<49152xf32, #tpu.memory_space<hbm>> -> memref<512xf32, #tpu.memory_space<hbm>>
      %dma_start3A_44 = tpu.memref_slice %arg10[%add3A_42] : memref<49152xf32, #tpu.memory_space<hbm>> -> memref<512xf32, #tpu.memory_space<hbm>>
      tpu.enqueue_dma source(%arg13 : memref<512xf32, #tpu.memory_space<vmem>>) target(%dma_start3A_44 : memref<512xf32, #tpu.memory_space<hbm>>) target_semaphore(%run_scoped3A : memref<!tpu.dma_semaphore, #tpu.memory_space<semaphore_mem>>)
      %dma_wait3A_45 = tpu.memref_slice %arg10[%add3A_42] : memref<49152xf32, #tpu.memory_space<hbm>> -> memref<512xf32, #tpu.memory_space<hbm>>
      %dma_wait3A_46 = tpu.memref_slice %arg10[%add3A_42] : memref<49152xf32, #tpu.memory_space<hbm>> -> memref<512xf32, #tpu.memory_space<hbm>>
      tpu.wait_dma2 semaphore(%run_scoped3A : memref<!tpu.dma_semaphore, #tpu.memory_space<semaphore_mem>>) src(%arg13 : memref<512xf32, #tpu.memory_space<vmem>>) dst(%dma_wait3A_46 : memref<512xf32, #tpu.memory_space<hbm>>)
      tpu.yield
    }) : () -> ()
    return
  }
}

#map = affine_map<(d0, d1) -> (0)>
#map1 = affine_map<(d0, d1) -> (0, 0)>
module attributes {stable_mosaic.version = 14 : i64} {
  func.func @body(%arg0: i32, %arg1: i32, %arg2: memref<147456xi32, #tpu.memory_space<hbm>>, %arg3: memref<100000xf32, #tpu.memory_space<hbm>>, %arg4: memref<100000xf32, #tpu.memory_space<hbm>>, %arg5: memref<100000xf32, #tpu.memory_space<hbm>>, %arg6: memref<100352x16xf32, #tpu.memory_space<hbm>>, %arg7: memref<100352x16xf32, #tpu.memory_space<hbm>>, %arg8: memref<100352x16xf32, #tpu.memory_space<hbm>>, %arg9: memref<16384x48xf32, #tpu.memory_space<hbm>>, %arg10: memref<49152xf32, #tpu.memory_space<hbm>>, %arg11: memref<512xi32, #tpu.memory_space<vmem>>, %arg12: memref<512x16xf32, #tpu.memory_space<vmem>>, %arg13: memref<512xf32, #tpu.memory_space<vmem>>, %arg14: memref<!tpu.dma_semaphore, #tpu.memory_space<semaphore_mem>>, %arg15: memref<!tpu.dma_semaphore, #tpu.memory_space<semaphore_mem>>) attributes {dimension_semantics = [#tpu.dimension_semantics<core_parallel>, #tpu.dimension_semantics<subcore_parallel>], iteration_bounds = array<i64: 2, 16>, scalar_prefetch = 0 : i64, scratch_operands = 5 : i64, tpu.core_type = #tpu.core_type<sc_vector_subcore>, window_params = [{transform_indices = #map}, {transform_indices = #map}, {transform_indices = #map}, {transform_indices = #map}, {transform_indices = #map1}, {transform_indices = #map1}, {transform_indices = #map1}, {transform_indices = #map1}, {transform_indices = #map}]} {
    %mul3A = arith.constant 2 : i32
    %mul3A_0 = arith.muli %arg1, %mul3A : i32
    %add3A = arith.addi %mul3A_0, %arg0 : i32
    %mul3A_1 = arith.constant 512 : i32
    %mul3A_2 = arith.muli %add3A, %mul3A_1 : i32
    %add3A_3 = arith.constant 0 : i32
    %add3A_4 = arith.addi %add3A_3, %mul3A_2 : i32
    "tpu.region"() ({
      %run_scoped3A = tpu.sem_alloc : memref<!tpu.dma_semaphore, #tpu.memory_space<semaphore_mem>>
      %dma_start3A_43 = tpu.memref_slice %arg2[%add3A_4] : memref<147456xi32, #tpu.memory_space<hbm>> -> memref<512xi32, #tpu.memory_space<hbm>>
      %dma_start3A_44 = tpu.memref_slice %arg2[%add3A_4] : memref<147456xi32, #tpu.memory_space<hbm>> -> memref<512xi32, #tpu.memory_space<hbm>>
      tpu.enqueue_dma source(%dma_start3A_44 : memref<512xi32, #tpu.memory_space<hbm>>) target(%arg11 : memref<512xi32, #tpu.memory_space<vmem>>) target_semaphore(%run_scoped3A : memref<!tpu.dma_semaphore, #tpu.memory_space<semaphore_mem>>)
      %dma_wait3A_45 = tpu.memref_slice %arg2[%add3A_4] : memref<147456xi32, #tpu.memory_space<hbm>> -> memref<512xi32, #tpu.memory_space<hbm>>
      %dma_wait3A_46 = tpu.memref_slice %arg2[%add3A_4] : memref<147456xi32, #tpu.memory_space<hbm>> -> memref<512xi32, #tpu.memory_space<hbm>>
      tpu.wait_dma2 semaphore(%run_scoped3A : memref<!tpu.dma_semaphore, #tpu.memory_space<semaphore_mem>>) src(%dma_wait3A_46 : memref<512xi32, #tpu.memory_space<hbm>>) dst(%arg11 : memref<512xi32, #tpu.memory_space<vmem>>)
      tpu.yield
    }) : () -> ()
    %dma_start3A = arith.constant 0 : i32
    %dma_start3A_5 = arith.constant 0 : i32
    %dma_start3A_6 = tpu.memref_slice %arg6[%dma_start3A, %dma_start3A_5] : memref<100352x16xf32, #tpu.memory_space<hbm>> -> memref<100352x16xf32, #tpu.memory_space<hbm>>
    tpu.enqueue_indirect_dma source(%dma_start3A_6 : memref<100352x16xf32, #tpu.memory_space<hbm>>) target(%arg12 : memref<512x16xf32, #tpu.memory_space<vmem>>) offsets(%arg11 : memref<512xi32, #tpu.memory_space<vmem>>) semaphore(%arg14 : memref<!tpu.dma_semaphore, #tpu.memory_space<semaphore_mem>>)
    %dma_start3A_7 = arith.constant 0 : i32
    %dma_start3A_8 = tpu.memref_slice %arg3[%dma_start3A_7] : memref<100000xf32, #tpu.memory_space<hbm>> -> memref<100000xf32, #tpu.memory_space<hbm>>
    tpu.enqueue_indirect_dma source(%dma_start3A_8 : memref<100000xf32, #tpu.memory_space<hbm>>) target(%arg13 : memref<512xf32, #tpu.memory_space<vmem>>) offsets(%arg11 : memref<512xi32, #tpu.memory_space<vmem>>) semaphore(%arg15 : memref<!tpu.dma_semaphore, #tpu.memory_space<semaphore_mem>>)
    %dma_wait3A = arith.constant 0 : i32
    %dma_wait3A_9 = arith.constant 0 : i32
    %dma_wait3A_10 = tpu.memref_slice %arg6[%dma_wait3A, %dma_wait3A_9] : memref<100352x16xf32, #tpu.memory_space<hbm>> -> memref<100352x16xf32, #tpu.memory_space<hbm>>
    tpu.wait_indirect_dma semaphore(%arg14 : memref<!tpu.dma_semaphore, #tpu.memory_space<semaphore_mem>>) src(%dma_wait3A_10 : memref<100352x16xf32, #tpu.memory_space<hbm>>) dst(%arg12 : memref<512x16xf32, #tpu.memory_space<vmem>>)
    "tpu.region"() ({
      %run_scoped3A = tpu.sem_alloc : memref<!tpu.dma_semaphore, #tpu.memory_space<semaphore_mem>>
      %dma_start3A_43 = arith.constant 0 : i32
      %dma_start3A_44 = tpu.memref_slice %arg9[%mul3A_2, %dma_start3A_43] : memref<16384x48xf32, #tpu.memory_space<hbm>> -> memref<512x16xf32, #tpu.memory_space<hbm>>
      %dma_start3A_45 = arith.constant 0 : i32
      %dma_start3A_46 = tpu.memref_slice %arg9[%mul3A_2, %dma_start3A_45] : memref<16384x48xf32, #tpu.memory_space<hbm>> -> memref<512x16xf32, #tpu.memory_space<hbm>>
      tpu.enqueue_dma source(%arg12 : memref<512x16xf32, #tpu.memory_space<vmem>>) target(%dma_start3A_46 : memref<512x16xf32, #tpu.memory_space<hbm>>) target_semaphore(%run_scoped3A : memref<!tpu.dma_semaphore, #tpu.memory_space<semaphore_mem>>)
      %dma_wait3A_47 = arith.constant 0 : i32
      %dma_wait3A_48 = tpu.memref_slice %arg9[%mul3A_2, %dma_wait3A_47] : memref<16384x48xf32, #tpu.memory_space<hbm>> -> memref<512x16xf32, #tpu.memory_space<hbm>>
      %dma_wait3A_49 = arith.constant 0 : i32
      %dma_wait3A_50 = tpu.memref_slice %arg9[%mul3A_2, %dma_wait3A_49] : memref<16384x48xf32, #tpu.memory_space<hbm>> -> memref<512x16xf32, #tpu.memory_space<hbm>>
      tpu.wait_dma2 semaphore(%run_scoped3A : memref<!tpu.dma_semaphore, #tpu.memory_space<semaphore_mem>>) src(%arg12 : memref<512x16xf32, #tpu.memory_space<vmem>>) dst(%dma_wait3A_50 : memref<512x16xf32, #tpu.memory_space<hbm>>)
      tpu.yield
    }) : () -> ()
    %dma_wait3A_11 = arith.constant 0 : i32
    %dma_wait3A_12 = tpu.memref_slice %arg3[%dma_wait3A_11] : memref<100000xf32, #tpu.memory_space<hbm>> -> memref<100000xf32, #tpu.memory_space<hbm>>
    tpu.wait_indirect_dma semaphore(%arg15 : memref<!tpu.dma_semaphore, #tpu.memory_space<semaphore_mem>>) src(%dma_wait3A_12 : memref<100000xf32, #tpu.memory_space<hbm>>) dst(%arg13 : memref<512xf32, #tpu.memory_space<vmem>>)
    %add3A_13 = arith.constant 0 : i32
    %add3A_14 = arith.addi %add3A_13, %mul3A_2 : i32
    "tpu.region"() ({
      %run_scoped3A = tpu.sem_alloc : memref<!tpu.dma_semaphore, #tpu.memory_space<semaphore_mem>>
      %dma_start3A_43 = tpu.memref_slice %arg10[%add3A_14] : memref<49152xf32, #tpu.memory_space<hbm>> -> memref<512xf32, #tpu.memory_space<hbm>>
      %dma_start3A_44 = tpu.memref_slice %arg10[%add3A_14] : memref<49152xf32, #tpu.memory_space<hbm>> -> memref<512xf32, #tpu.memory_space<hbm>>
      tpu.enqueue_dma source(%arg13 : memref<512xf32, #tpu.memory_space<vmem>>) target(%dma_start3A_44 : memref<512xf32, #tpu.memory_space<hbm>>) target_semaphore(%run_scoped3A : memref<!tpu.dma_semaphore, #tpu.memory_space<semaphore_mem>>)
      %dma_wait3A_45 = tpu.memref_slice %arg10[%add3A_14] : memref<49152xf32, #tpu.memory_space<hbm>> -> memref<512xf32, #tpu.memory_space<hbm>>
      %dma_wait3A_46 = tpu.memref_slice %arg10[%add3A_14] : memref<49152xf32, #tpu.memory_space<hbm>> -> memref<512xf32, #tpu.memory_space<hbm>>
      tpu.wait_dma2 semaphore(%run_scoped3A : memref<!tpu.dma_semaphore, #tpu.memory_space<semaphore_mem>>) src(%arg13 : memref<512xf32, #tpu.memory_space<vmem>>) dst(%dma_wait3A_46 : memref<512xf32, #tpu.memory_space<hbm>>)
      tpu.yield
    }) : () -> ()
    %add3A_15 = arith.constant 16384 : i32
    %add3A_16 = arith.addi %add3A_15, %mul3A_2 : i32
    "tpu.region"() ({
      %run_scoped3A = tpu.sem_alloc : memref<!tpu.dma_semaphore, #tpu.memory_space<semaphore_mem>>
      %dma_start3A_43 = tpu.memref_slice %arg2[%add3A_16] : memref<147456xi32, #tpu.memory_space<hbm>> -> memref<512xi32, #tpu.memory_space<hbm>>
      %dma_start3A_44 = tpu.memref_slice %arg2[%add3A_16] : memref<147456xi32, #tpu.memory_space<hbm>> -> memref<512xi32, #tpu.memory_space<hbm>>
      tpu.enqueue_dma source(%dma_start3A_44 : memref<512xi32, #tpu.memory_space<hbm>>) target(%arg11 : memref<512xi32, #tpu.memory_space<vmem>>) target_semaphore(%run_scoped3A : memref<!tpu.dma_semaphore, #tpu.memory_space<semaphore_mem>>)
      %dma_wait3A_45 = tpu.memref_slice %arg2[%add3A_16] : memref<147456xi32, #tpu.memory_space<hbm>> -> memref<512xi32, #tpu.memory_space<hbm>>
      %dma_wait3A_46 = tpu.memref_slice %arg2[%add3A_16] : memref<147456xi32, #tpu.memory_space<hbm>> -> memref<512xi32, #tpu.memory_space<hbm>>
      tpu.wait_dma2 semaphore(%run_scoped3A : memref<!tpu.dma_semaphore, #tpu.memory_space<semaphore_mem>>) src(%dma_wait3A_46 : memref<512xi32, #tpu.memory_space<hbm>>) dst(%arg11 : memref<512xi32, #tpu.memory_space<vmem>>)
      tpu.yield
    }) : () -> ()
    %dma_start3A_17 = arith.constant 0 : i32
    %dma_start3A_18 = arith.constant 0 : i32
    %dma_start3A_19 = tpu.memref_slice %arg7[%dma_start3A_17, %dma_start3A_18] : memref<100352x16xf32, #tpu.memory_space<hbm>> -> memref<100352x16xf32, #tpu.memory_space<hbm>>
    tpu.enqueue_indirect_dma source(%dma_start3A_19 : memref<100352x16xf32, #tpu.memory_space<hbm>>) target(%arg12 : memref<512x16xf32, #tpu.memory_space<vmem>>) offsets(%arg11 : memref<512xi32, #tpu.memory_space<vmem>>) semaphore(%arg14 : memref<!tpu.dma_semaphore, #tpu.memory_space<semaphore_mem>>)
    %dma_start3A_20 = arith.constant 0 : i32
    %dma_start3A_21 = tpu.memref_slice %arg4[%dma_start3A_20] : memref<100000xf32, #tpu.memory_space<hbm>> -> memref<100000xf32, #tpu.memory_space<hbm>>
    tpu.enqueue_indirect_dma source(%dma_start3A_21 : memref<100000xf32, #tpu.memory_space<hbm>>) target(%arg13 : memref<512xf32, #tpu.memory_space<vmem>>) offsets(%arg11 : memref<512xi32, #tpu.memory_space<vmem>>) semaphore(%arg15 : memref<!tpu.dma_semaphore, #tpu.memory_space<semaphore_mem>>)
    %dma_wait3A_22 = arith.constant 0 : i32
    %dma_wait3A_23 = arith.constant 0 : i32
    %dma_wait3A_24 = tpu.memref_slice %arg7[%dma_wait3A_22, %dma_wait3A_23] : memref<100352x16xf32, #tpu.memory_space<hbm>> -> memref<100352x16xf32, #tpu.memory_space<hbm>>
    tpu.wait_indirect_dma semaphore(%arg14 : memref<!tpu.dma_semaphore, #tpu.memory_space<semaphore_mem>>) src(%dma_wait3A_24 : memref<100352x16xf32, #tpu.memory_space<hbm>>) dst(%arg12 : memref<512x16xf32, #tpu.memory_space<vmem>>)
    "tpu.region"() ({
      %run_scoped3A = tpu.sem_alloc : memref<!tpu.dma_semaphore, #tpu.memory_space<semaphore_mem>>
      %dma_start3A_43 = arith.constant 16 : i32
      %dma_start3A_44 = tpu.memref_slice %arg9[%mul3A_2, %dma_start3A_43] : memref<16384x48xf32, #tpu.memory_space<hbm>> -> memref<512x16xf32, #tpu.memory_space<hbm>>
      %dma_start3A_45 = arith.constant 16 : i32
      %dma_start3A_46 = tpu.memref_slice %arg9[%mul3A_2, %dma_start3A_45] : memref<16384x48xf32, #tpu.memory_space<hbm>> -> memref<512x16xf32, #tpu.memory_space<hbm>>
      tpu.enqueue_dma source(%arg12 : memref<512x16xf32, #tpu.memory_space<vmem>>) target(%dma_start3A_46 : memref<512x16xf32, #tpu.memory_space<hbm>>) target_semaphore(%run_scoped3A : memref<!tpu.dma_semaphore, #tpu.memory_space<semaphore_mem>>)
      %dma_wait3A_47 = arith.constant 16 : i32
      %dma_wait3A_48 = tpu.memref_slice %arg9[%mul3A_2, %dma_wait3A_47] : memref<16384x48xf32, #tpu.memory_space<hbm>> -> memref<512x16xf32, #tpu.memory_space<hbm>>
      %dma_wait3A_49 = arith.constant 16 : i32
      %dma_wait3A_50 = tpu.memref_slice %arg9[%mul3A_2, %dma_wait3A_49] : memref<16384x48xf32, #tpu.memory_space<hbm>> -> memref<512x16xf32, #tpu.memory_space<hbm>>
      tpu.wait_dma2 semaphore(%run_scoped3A : memref<!tpu.dma_semaphore, #tpu.memory_space<semaphore_mem>>) src(%arg12 : memref<512x16xf32, #tpu.memory_space<vmem>>) dst(%dma_wait3A_50 : memref<512x16xf32, #tpu.memory_space<hbm>>)
      tpu.yield
    }) : () -> ()
    %dma_wait3A_25 = arith.constant 0 : i32
    %dma_wait3A_26 = tpu.memref_slice %arg4[%dma_wait3A_25] : memref<100000xf32, #tpu.memory_space<hbm>> -> memref<100000xf32, #tpu.memory_space<hbm>>
    tpu.wait_indirect_dma semaphore(%arg15 : memref<!tpu.dma_semaphore, #tpu.memory_space<semaphore_mem>>) src(%dma_wait3A_26 : memref<100000xf32, #tpu.memory_space<hbm>>) dst(%arg13 : memref<512xf32, #tpu.memory_space<vmem>>)
    %add3A_27 = arith.constant 16384 : i32
    %add3A_28 = arith.addi %add3A_27, %mul3A_2 : i32
    "tpu.region"() ({
      %run_scoped3A = tpu.sem_alloc : memref<!tpu.dma_semaphore, #tpu.memory_space<semaphore_mem>>
      %dma_start3A_43 = tpu.memref_slice %arg10[%add3A_28] : memref<49152xf32, #tpu.memory_space<hbm>> -> memref<512xf32, #tpu.memory_space<hbm>>
      %dma_start3A_44 = tpu.memref_slice %arg10[%add3A_28] : memref<49152xf32, #tpu.memory_space<hbm>> -> memref<512xf32, #tpu.memory_space<hbm>>
      tpu.enqueue_dma source(%arg13 : memref<512xf32, #tpu.memory_space<vmem>>) target(%dma_start3A_44 : memref<512xf32, #tpu.memory_space<hbm>>) target_semaphore(%run_scoped3A : memref<!tpu.dma_semaphore, #tpu.memory_space<semaphore_mem>>)
      %dma_wait3A_45 = tpu.memref_slice %arg10[%add3A_28] : memref<49152xf32, #tpu.memory_space<hbm>> -> memref<512xf32, #tpu.memory_space<hbm>>
      %dma_wait3A_46 = tpu.memref_slice %arg10[%add3A_28] : memref<49152xf32, #tpu.memory_space<hbm>> -> memref<512xf32, #tpu.memory_space<hbm>>
      tpu.wait_dma2 semaphore(%run_scoped3A : memref<!tpu.dma_semaphore, #tpu.memory_space<semaphore_mem>>) src(%arg13 : memref<512xf32, #tpu.memory_space<vmem>>) dst(%dma_wait3A_46 : memref<512xf32, #tpu.memory_space<hbm>>)
      tpu.yield
    }) : () -> ()
    %add3A_29 = arith.constant 32768 : i32
    %add3A_30 = arith.addi %add3A_29, %mul3A_2 : i32
    "tpu.region"() ({
      %run_scoped3A = tpu.sem_alloc : memref<!tpu.dma_semaphore, #tpu.memory_space<semaphore_mem>>
      %dma_start3A_43 = tpu.memref_slice %arg2[%add3A_30] : memref<147456xi32, #tpu.memory_space<hbm>> -> memref<512xi32, #tpu.memory_space<hbm>>
      %dma_start3A_44 = tpu.memref_slice %arg2[%add3A_30] : memref<147456xi32, #tpu.memory_space<hbm>> -> memref<512xi32, #tpu.memory_space<hbm>>
      tpu.enqueue_dma source(%dma_start3A_44 : memref<512xi32, #tpu.memory_space<hbm>>) target(%arg11 : memref<512xi32, #tpu.memory_space<vmem>>) target_semaphore(%run_scoped3A : memref<!tpu.dma_semaphore, #tpu.memory_space<semaphore_mem>>)
      %dma_wait3A_45 = tpu.memref_slice %arg2[%add3A_30] : memref<147456xi32, #tpu.memory_space<hbm>> -> memref<512xi32, #tpu.memory_space<hbm>>
      %dma_wait3A_46 = tpu.memref_slice %arg2[%add3A_30] : memref<147456xi32, #tpu.memory_space<hbm>> -> memref<512xi32, #tpu.memory_space<hbm>>
      tpu.wait_dma2 semaphore(%run_scoped3A : memref<!tpu.dma_semaphore, #tpu.memory_space<semaphore_mem>>) src(%dma_wait3A_46 : memref<512xi32, #tpu.memory_space<hbm>>) dst(%arg11 : memref<512xi32, #tpu.memory_space<vmem>>)
      tpu.yield
    }) : () -> ()
    %dma_start3A_31 = arith.constant 0 : i32
    %dma_start3A_32 = arith.constant 0 : i32
    %dma_start3A_33 = tpu.memref_slice %arg8[%dma_start3A_31, %dma_start3A_32] : memref<100352x16xf32, #tpu.memory_space<hbm>> -> memref<100352x16xf32, #tpu.memory_space<hbm>>
    tpu.enqueue_indirect_dma source(%dma_start3A_33 : memref<100352x16xf32, #tpu.memory_space<hbm>>) target(%arg12 : memref<512x16xf32, #tpu.memory_space<vmem>>) offsets(%arg11 : memref<512xi32, #tpu.memory_space<vmem>>) semaphore(%arg14 : memref<!tpu.dma_semaphore, #tpu.memory_space<semaphore_mem>>)
    %dma_start3A_34 = arith.constant 0 : i32
    %dma_start3A_35 = tpu.memref_slice %arg5[%dma_start3A_34] : memref<100000xf32, #tpu.memory_space<hbm>> -> memref<100000xf32, #tpu.memory_space<hbm>>
    tpu.enqueue_indirect_dma source(%dma_start3A_35 : memref<100000xf32, #tpu.memory_space<hbm>>) target(%arg13 : memref<512xf32, #tpu.memory_space<vmem>>) offsets(%arg11 : memref<512xi32, #tpu.memory_space<vmem>>) semaphore(%arg15 : memref<!tpu.dma_semaphore, #tpu.memory_space<semaphore_mem>>)
    %dma_wait3A_36 = arith.constant 0 : i32
    %dma_wait3A_37 = arith.constant 0 : i32
    %dma_wait3A_38 = tpu.memref_slice %arg8[%dma_wait3A_36, %dma_wait3A_37] : memref<100352x16xf32, #tpu.memory_space<hbm>> -> memref<100352x16xf32, #tpu.memory_space<hbm>>
    tpu.wait_indirect_dma semaphore(%arg14 : memref<!tpu.dma_semaphore, #tpu.memory_space<semaphore_mem>>) src(%dma_wait3A_38 : memref<100352x16xf32, #tpu.memory_space<hbm>>) dst(%arg12 : memref<512x16xf32, #tpu.memory_space<vmem>>)
    "tpu.region"() ({
      %run_scoped3A = tpu.sem_alloc : memref<!tpu.dma_semaphore, #tpu.memory_space<semaphore_mem>>
      %dma_start3A_43 = arith.constant 32 : i32
      %dma_start3A_44 = tpu.memref_slice %arg9[%mul3A_2, %dma_start3A_43] : memref<16384x48xf32, #tpu.memory_space<hbm>> -> memref<512x16xf32, #tpu.memory_space<hbm>>
      %dma_start3A_45 = arith.constant 32 : i32
      %dma_start3A_46 = tpu.memref_slice %arg9[%mul3A_2, %dma_start3A_45] : memref<16384x48xf32, #tpu.memory_space<hbm>> -> memref<512x16xf32, #tpu.memory_space<hbm>>
      tpu.enqueue_dma source(%arg12 : memref<512x16xf32, #tpu.memory_space<vmem>>) target(%dma_start3A_46 : memref<512x16xf32, #tpu.memory_space<hbm>>) target_semaphore(%run_scoped3A : memref<!tpu.dma_semaphore, #tpu.memory_space<semaphore_mem>>)
      %dma_wait3A_47 = arith.constant 32 : i32
      %dma_wait3A_48 = tpu.memref_slice %arg9[%mul3A_2, %dma_wait3A_47] : memref<16384x48xf32, #tpu.memory_space<hbm>> -> memref<512x16xf32, #tpu.memory_space<hbm>>
      %dma_wait3A_49 = arith.constant 32 : i32
      %dma_wait3A_50 = tpu.memref_slice %arg9[%mul3A_2, %dma_wait3A_49] : memref<16384x48xf32, #tpu.memory_space<hbm>> -> memref<512x16xf32, #tpu.memory_space<hbm>>
      tpu.wait_dma2 semaphore(%run_scoped3A : memref<!tpu.dma_semaphore, #tpu.memory_space<semaphore_mem>>) src(%arg12 : memref<512x16xf32, #tpu.memory_space<vmem>>) dst(%dma_wait3A_50 : memref<512x16xf32, #tpu.memory_space<hbm>>)
      tpu.yield
    }) : () -> ()
    %dma_wait3A_39 = arith.constant 0 : i32
    %dma_wait3A_40 = tpu.memref_slice %arg5[%dma_wait3A_39] : memref<100000xf32, #tpu.memory_space<hbm>> -> memref<100000xf32, #tpu.memory_space<hbm>>
    tpu.wait_indirect_dma semaphore(%arg15 : memref<!tpu.dma_semaphore, #tpu.memory_space<semaphore_mem>>) src(%dma_wait3A_40 : memref<100000xf32, #tpu.memory_space<hbm>>) dst(%arg13 : memref<512xf32, #tpu.memory_space<vmem>>)
    %add3A_41 = arith.constant 32768 : i32
    %add3A_42 = arith.addi %add3A_41, %mul3A_2 : i32
    "tpu.region"() ({
      %run_scoped3A = tpu.sem_alloc : memref<!tpu.dma_semaphore, #tpu.memory_space<semaphore_mem>>
      %dma_start3A_43 = tpu.memref_slice %arg10[%add3A_42] : memref<49152xf32, #tpu.memory_space<hbm>> -> memref<512xf32, #tpu.memory_space<hbm>>
      %dma_start3A_44 = tpu.memref_slice %arg10[%add3A_42] : memref<49152xf32, #tpu.memory_space<hbm>> -> memref<512xf32, #tpu.memory_space<hbm>>
      tpu.enqueue_dma source(%arg13 : memref<512xf32, #tpu.memory_space<vmem>>) target(%dma_start3A_44 : memref<512xf32, #tpu.memory_space<hbm>>) target_semaphore(%run_scoped3A : memref<!tpu.dma_semaphore, #tpu.memory_space<semaphore_mem>>)
      %dma_wait3A_45 = tpu.memref_slice %arg10[%add3A_42] : memref<49152xf32, #tpu.memory_space<hbm>> -> memref<512xf32, #tpu.memory_space<hbm>>
      %dma_wait3A_46 = tpu.memref_slice %arg10[%add3A_42] : memref<49152xf32, #tpu.memory_space<hbm>> -> memref<512xf32, #tpu.memory_space<hbm>>
      tpu.wait_dma2 semaphore(%run_scoped3A : memref<!tpu.dma_semaphore, #tpu.memory_space<semaphore_mem>>) src(%arg13 : memref<512xf32, #tpu.memory_space<vmem>>) dst(%dma_wait3A_46 : memref<512xf32, #tpu.memory_space<hbm>>)
      tpu.yield
    }) : () -> ()
    return
  }
}

module attributes {stable_mosaic.version = 14 : i64} {
  func.func @_tc_transpose_body(%arg0: i32, %arg1: memref<16x2048xf32, #tpu.memory_space<vmem>>, %arg2: memref<16x2048xf32, #tpu.memory_space<vmem>>, %arg3: memref<16x2048xf32, #tpu.memory_space<vmem>>, %arg4: memref<256x128xf32, #tpu.memory_space<vmem>>, %arg5: memref<256x128xf32, #tpu.memory_space<vmem>>, %arg6: memref<256x128xf32, #tpu.memory_space<vmem>>) attributes {dimension_semantics = [#tpu.dimension_semantics<arbitrary>], iteration_bounds = array<i64: 49>, scalar_prefetch = 0 : i64, scratch_operands = 0 : i64, tpu.core_type = #tpu.core_type<tc>, window_params = [{transform_indices = @transform_0, window_bounds = array<i64: 16, 2048>}, {transform_indices = @transform_1, window_bounds = array<i64: 16, 2048>}, {transform_indices = @transform_2, window_bounds = array<i64: 16, 2048>}, {transform_indices = @transform_3, window_bounds = array<i64: 256, 128>}, {transform_indices = @transform_4, window_bounds = array<i64: 256, 128>}, {transform_indices = @transform_5, window_bounds = array<i64: 256, 128>}]} {
    %iota3A = tpu.iota {dimensions = array<i32: 0>} : vector<2048x128xi32>
    %iota3A_0 = tpu.iota {dimensions = array<i32: 1>} : vector<2048x128xi32>
    %jit3A = arith.constant 16 : i32
    %div3A = vector.broadcast %jit3A : i32 to vector<2048x128xi32>
    %div3A_1 = arith.divsi %iota3A_0, %div3A : vector<2048x128xi32>
    %sign3A = arith.constant 0 : i32
    %sign3A_2 = vector.broadcast %sign3A : i32 to vector<2048x128xi32>
    %sign3A_3 = arith.cmpi sgt, %iota3A_0, %sign3A_2 : vector<2048x128xi32>
    %sign3A_4 = arith.extui %sign3A_3 : vector<2048x128xi1> to vector<2048x128xi32>
    %sign3A_5 = arith.constant 0 : i32
    %sign3A_6 = vector.broadcast %sign3A_5 : i32 to vector<2048x128xi32>
    %sign3A_7 = arith.cmpi slt, %iota3A_0, %sign3A_6 : vector<2048x128xi32>
    %sign3A_8 = arith.extui %sign3A_7 : vector<2048x128xi1> to vector<2048x128xi32>
    %sign3A_9 = arith.subi %sign3A_4, %sign3A_8 : vector<2048x128xi32>
    %sign3A_10 = arith.constant 0 : i32
    %sign3A_11 = arith.cmpi sgt, %jit3A, %sign3A_10 : i32
    %sign3A_12 = arith.extui %sign3A_11 : i1 to i32
    %sign3A_13 = arith.constant 0 : i32
    %sign3A_14 = arith.cmpi slt, %jit3A, %sign3A_13 : i32
    %sign3A_15 = arith.extui %sign3A_14 : i1 to i32
    %sign3A_16 = arith.subi %sign3A_12, %sign3A_15 : i32
    %ne3A = vector.broadcast %sign3A_16 : i32 to vector<2048x128xi32>
    %ne3A_17 = arith.cmpi ne, %sign3A_9, %ne3A : vector<2048x128xi32>
    %rem3A = vector.broadcast %jit3A : i32 to vector<2048x128xi32>
    %rem3A_18 = arith.remsi %iota3A_0, %rem3A : vector<2048x128xi32>
    %ne3A_19 = arith.constant 0 : i32
    %ne3A_20 = vector.broadcast %ne3A_19 : i32 to vector<2048x128xi32>
    %ne3A_21 = arith.cmpi ne, %rem3A_18, %ne3A_20 : vector<2048x128xi32>
    %and3A = arith.andi %ne3A_17, %ne3A_21 : vector<2048x128xi1>
    %sub3A = arith.constant 1 : i32
    %sub3A_22 = vector.broadcast %sub3A : i32 to vector<2048x128xi32>
    %sub3A_23 = arith.subi %div3A_1, %sub3A_22 : vector<2048x128xi32>
    %select_n3A = arith.select %and3A, %sub3A_23, %div3A_1 : vector<2048x128xi1>, vector<2048x128xi32>
    %jit3A_24 = arith.constant 8 : i32
    %eq3A = arith.constant 0 : i32
    %eq3A_25 = arith.cmpi eq, %jit3A_24, %eq3A : i32
    %jit3A_26 = arith.constant 1 : i32
    %select_n3A_27 = arith.select %eq3A_25, %jit3A_26, %jit3A_24 : i32
    %rem3A_28 = vector.broadcast %select_n3A_27 : i32 to vector<2048x128xi32>
    %rem3A_29 = arith.remsi %iota3A, %rem3A_28 : vector<2048x128xi32>
    %ne3A_30 = arith.constant 0 : i32
    %ne3A_31 = vector.broadcast %ne3A_30 : i32 to vector<2048x128xi32>
    %ne3A_32 = arith.cmpi ne, %rem3A_29, %ne3A_31 : vector<2048x128xi32>
    %lt3A = arith.constant 0 : i32
    %lt3A_33 = vector.broadcast %lt3A : i32 to vector<2048x128xi32>
    %lt3A_34 = arith.cmpi slt, %rem3A_29, %lt3A_33 : vector<2048x128xi32>
    %lt3A_35 = arith.constant 0 : i32
    %lt3A_36 = arith.cmpi slt, %select_n3A_27, %lt3A_35 : i32
    %ne3A_37 = vector.broadcast %lt3A_36 : i1 to vector<2048x128xi1>
    %ne3A_38 = vector.broadcast %ne3A_37 : vector<2048x128xi1> to vector<2048x128xi1>
    %ne3A_39 = arith.xori %lt3A_34, %ne3A_38 : vector<2048x128xi1>
    %and3A_40 = arith.andi %ne3A_39, %ne3A_32 : vector<2048x128xi1>
    %add3A = vector.broadcast %select_n3A_27 : i32 to vector<2048x128xi32>
    %add3A_41 = arith.addi %rem3A_29, %add3A : vector<2048x128xi32>
    %select_n3A_42 = arith.select %and3A_40, %add3A_41, %rem3A_29 : vector<2048x128xi1>, vector<2048x128xi32>
    %eq3A_43 = arith.cmpi eq, %select_n3A, %select_n3A_42 : vector<2048x128xi32>
    %convert_element_type3A = arith.extui %eq3A_43 : vector<2048x128xi1> to vector<2048x128xi32>
    %convert_element_type3A_44 = arith.sitofp %convert_element_type3A : vector<2048x128xi32> to vector<2048x128xf32>
    %iota3A_45 = tpu.iota {dimensions = array<i32: 0>} : vector<16x128xi32>
    %iota3A_46 = tpu.iota {dimensions = array<i32: 1>} : vector<16x128xi32>
    %jit3A_47 = arith.constant 16 : i32
    %eq3A_48 = arith.constant 0 : i32
    %eq3A_49 = arith.cmpi eq, %jit3A_47, %eq3A_48 : i32
    %jit3A_50 = arith.constant 1 : i32
    %select_n3A_51 = arith.select %eq3A_49, %jit3A_50, %jit3A_47 : i32
    %rem3A_52 = vector.broadcast %select_n3A_51 : i32 to vector<16x128xi32>
    %rem3A_53 = arith.remsi %iota3A_46, %rem3A_52 : vector<16x128xi32>
    %ne3A_54 = arith.constant 0 : i32
    %ne3A_55 = vector.broadcast %ne3A_54 : i32 to vector<16x128xi32>
    %ne3A_56 = arith.cmpi ne, %rem3A_53, %ne3A_55 : vector<16x128xi32>
    %lt3A_57 = arith.constant 0 : i32
    %lt3A_58 = vector.broadcast %lt3A_57 : i32 to vector<16x128xi32>
    %lt3A_59 = arith.cmpi slt, %rem3A_53, %lt3A_58 : vector<16x128xi32>
    %lt3A_60 = arith.constant 0 : i32
    %lt3A_61 = arith.cmpi slt, %select_n3A_51, %lt3A_60 : i32
    %ne3A_62 = vector.broadcast %lt3A_61 : i1 to vector<16x128xi1>
    %ne3A_63 = vector.broadcast %ne3A_62 : vector<16x128xi1> to vector<16x128xi1>
    %ne3A_64 = arith.xori %lt3A_59, %ne3A_63 : vector<16x128xi1>
    %and3A_65 = arith.andi %ne3A_64, %ne3A_56 : vector<16x128xi1>
    %add3A_66 = vector.broadcast %select_n3A_51 : i32 to vector<16x128xi32>
    %add3A_67 = arith.addi %rem3A_53, %add3A_66 : vector<16x128xi32>
    %select_n3A_68 = arith.select %and3A_65, %add3A_67, %rem3A_53 : vector<16x128xi1>, vector<16x128xi32>
    %eq3A_69 = arith.cmpi eq, %iota3A_45, %select_n3A_68 : vector<16x128xi32>
    %convert_element_type3A_70 = arith.extui %eq3A_69 : vector<16x128xi1> to vector<16x128xi32>
    %convert_element_type3A_71 = arith.sitofp %convert_element_type3A_70 : vector<16x128xi32> to vector<16x128xf32>
    %get3A = arith.constant 0 : index
    %get3A_72 = arith.constant 0 : index
    %get3A_73 = vector.load %arg1[%get3A, %get3A_72] : memref<16x2048xf32, #tpu.memory_space<vmem>>, vector<16x2048xf32>
    %dot_general3A = arith.constant dense<0.000000e+00> : vector<2048x128xf32>
    %dot_general3A_74 = tpu.matmul %get3A_73, %convert_element_type3A_71, %dot_general3A {dimension_numbers = #tpu.dot_dimension_numbers<[0], [0], [1], [1], [0, 1, 1, 1], [], []>, transpose_lhs_hint = false} : vector<16x2048xf32>, vector<16x128xf32>, vector<2048x128xf32> -> vector<2048x128xf32>
    %mul3A = arith.mulf %dot_general3A_74, %convert_element_type3A_44 : vector<2048x128xf32>
    %reshape3A = vector.shape_cast %mul3A : vector<2048x128xf32> to vector<256x8x128xf32>
    %reduce_sum3A = arith.constant dense<0.000000e+00> : vector<256x128xf32>
    %reduce_sum3A_75 = vector.multi_reduction <add>, %reshape3A, %reduce_sum3A [1] : vector<256x8x128xf32> to vector<256x128xf32>
    %swap3A = arith.constant 0 : index
    %swap3A_76 = arith.constant 0 : index
    %swap3A_77 = vector.load %arg4[%swap3A, %swap3A_76] : memref<256x128xf32, #tpu.memory_space<vmem>>, vector<256x128xf32>
    tpu.vector_store %arg4[%swap3A, %swap3A_76], %reduce_sum3A_75 {strides = array<i32>} : memref<256x128xf32, #tpu.memory_space<vmem>>, vector<256x128xf32>,
    %get3A_78 = arith.constant 0 : index
    %get3A_79 = arith.constant 0 : index
    %get3A_80 = vector.load %arg2[%get3A_78, %get3A_79] : memref<16x2048xf32, #tpu.memory_space<vmem>>, vector<16x2048xf32>
    %dot_general3A_81 = arith.constant dense<0.000000e+00> : vector<2048x128xf32>
    %dot_general3A_82 = tpu.matmul %get3A_80, %convert_element_type3A_71, %dot_general3A_81 {dimension_numbers = #tpu.dot_dimension_numbers<[0], [0], [1], [1], [0, 1, 1, 1], [], []>, transpose_lhs_hint = false} : vector<16x2048xf32>, vector<16x128xf32>, vector<2048x128xf32> -> vector<2048x128xf32>
    %mul3A_83 = arith.mulf %dot_general3A_82, %convert_element_type3A_44 : vector<2048x128xf32>
    %reshape3A_84 = vector.shape_cast %mul3A_83 : vector<2048x128xf32> to vector<256x8x128xf32>
    %reduce_sum3A_85 = arith.constant dense<0.000000e+00> : vector<256x128xf32>
    %reduce_sum3A_86 = vector.multi_reduction <add>, %reshape3A_84, %reduce_sum3A_85 [1] : vector<256x8x128xf32> to vector<256x128xf32>
    %swap3A_87 = arith.constant 0 : index
    %swap3A_88 = arith.constant 0 : index
    %swap3A_89 = vector.load %arg5[%swap3A_87, %swap3A_88] : memref<256x128xf32, #tpu.memory_space<vmem>>, vector<256x128xf32>
    tpu.vector_store %arg5[%swap3A_87, %swap3A_88], %reduce_sum3A_86 {strides = array<i32>} : memref<256x128xf32, #tpu.memory_space<vmem>>, vector<256x128xf32>,
    %get3A_90 = arith.constant 0 : index
    %get3A_91 = arith.constant 0 : index
    %get3A_92 = vector.load %arg3[%get3A_90, %get3A_91] : memref<16x2048xf32, #tpu.memory_space<vmem>>, vector<16x2048xf32>
    %dot_general3A_93 = arith.constant dense<0.000000e+00> : vector<2048x128xf32>
    %dot_general3A_94 = tpu.matmul %get3A_92, %convert_element_type3A_71, %dot_general3A_93 {dimension_numbers = #tpu.dot_dimension_numbers<[0], [0], [1], [1], [0, 1, 1, 1], [], []>, transpose_lhs_hint = false} : vector<16x2048xf32>, vector<16x128xf32>, vector<2048x128xf32> -> vector<2048x128xf32>
    %mul3A_95 = arith.mulf %dot_general3A_94, %convert_element_type3A_44 : vector<2048x128xf32>
    %reshape3A_96 = vector.shape_cast %mul3A_95 : vector<2048x128xf32> to vector<256x8x128xf32>
    %reduce_sum3A_97 = arith.constant dense<0.000000e+00> : vector<256x128xf32>
    %reduce_sum3A_98 = vector.multi_reduction <add>, %reshape3A_96, %reduce_sum3A_97 [1] : vector<256x8x128xf32> to vector<256x128xf32>
    %swap3A_99 = arith.constant 0 : index
    %swap3A_100 = arith.constant 0 : index
    %swap3A_101 = vector.load %arg6[%swap3A_99, %swap3A_100] : memref<256x128xf32, #tpu.memory_space<vmem>>, vector<256x128xf32>
    tpu.vector_store %arg6[%swap3A_99, %swap3A_100], %reduce_sum3A_98 {strides = array<i32>} : memref<256x128xf32, #tpu.memory_space<vmem>>, vector<256x128xf32>,
    return
  }
  func.func @transform_0(%arg0: i32) -> (i32, i32) {
    %c0_i32 = arith.constant 0 : i32
    %c0_i32_0 = arith.constant 0 : i32
    return %c0_i32, %arg0 : i32, i32
  }
  func.func @transform_1(%arg0: i32) -> (i32, i32) {
    %c0_i32 = arith.constant 0 : i32
    %c0_i32_0 = arith.constant 0 : i32
    return %c0_i32, %arg0 : i32, i32
  }
  func.func @transform_2(%arg0: i32) -> (i32, i32) {
    %c0_i32 = arith.constant 0 : i32
    %c0_i32_0 = arith.constant 0 : i32
    return %c0_i32, %arg0 : i32, i32
  }
  func.func @transform_3(%arg0: i32) -> (i32, i32) {
    %c0_i32 = arith.constant 0 : i32
    %c0_i32_0 = arith.constant 0 : i32
    return %arg0, %c0_i32 : i32, i32
  }
  func.func @transform_4(%arg0: i32) -> (i32, i32) {
    %c0_i32 = arith.constant 0 : i32
    %c0_i32_0 = arith.constant 0 : i32
    return %arg0, %c0_i32 : i32, i32
  }
  func.func @transform_5(%arg0: i32) -> (i32, i32) {
    %c0_i32 = arith.constant 0 : i32
    %c0_i32_0 = arith.constant 0 : i32
    return %arg0, %c0_i32 : i32, i32
  }
}

module attributes {stable_mosaic.version = 14 : i64} {
  func.func @_tc_transpose_body(%arg0: i32, %arg1: memref<16x2048xf32, #tpu.memory_space<vmem>>, %arg2: memref<16x2048xf32, #tpu.memory_space<vmem>>, %arg3: memref<16x2048xf32, #tpu.memory_space<vmem>>, %arg4: memref<256x128xf32, #tpu.memory_space<vmem>>, %arg5: memref<256x128xf32, #tpu.memory_space<vmem>>, %arg6: memref<256x128xf32, #tpu.memory_space<vmem>>) attributes {dimension_semantics = [#tpu.dimension_semantics<arbitrary>], iteration_bounds = array<i64: 49>, scalar_prefetch = 0 : i64, scratch_operands = 0 : i64, tpu.core_type = #tpu.core_type<tc>, window_params = [{transform_indices = @transform_0, window_bounds = array<i64: 16, 2048>}, {transform_indices = @transform_1, window_bounds = array<i64: 16, 2048>}, {transform_indices = @transform_2, window_bounds = array<i64: 16, 2048>}, {transform_indices = @transform_3, window_bounds = array<i64: 256, 128>}, {transform_indices = @transform_4, window_bounds = array<i64: 256, 128>}, {transform_indices = @transform_5, window_bounds = array<i64: 256, 128>}]} {
    %iota3A = tpu.iota {dimensions = array<i32: 0>} : vector<2048x128xi32>
    %iota3A_0 = tpu.iota {dimensions = array<i32: 1>} : vector<2048x128xi32>
    %jit3A = arith.constant 16 : i32
    %div3A = vector.broadcast %jit3A : i32 to vector<2048x128xi32>
    %div3A_1 = arith.divsi %iota3A_0, %div3A : vector<2048x128xi32>
    %sign3A = arith.constant 0 : i32
    %sign3A_2 = vector.broadcast %sign3A : i32 to vector<2048x128xi32>
    %sign3A_3 = arith.cmpi sgt, %iota3A_0, %sign3A_2 : vector<2048x128xi32>
    %sign3A_4 = arith.extui %sign3A_3 : vector<2048x128xi1> to vector<2048x128xi32>
    %sign3A_5 = arith.constant 0 : i32
    %sign3A_6 = vector.broadcast %sign3A_5 : i32 to vector<2048x128xi32>
    %sign3A_7 = arith.cmpi slt, %iota3A_0, %sign3A_6 : vector<2048x128xi32>
    %sign3A_8 = arith.extui %sign3A_7 : vector<2048x128xi1> to vector<2048x128xi32>
    %sign3A_9 = arith.subi %sign3A_4, %sign3A_8 : vector<2048x128xi32>
    %sign3A_10 = arith.constant 0 : i32
    %sign3A_11 = arith.cmpi sgt, %jit3A, %sign3A_10 : i32
    %sign3A_12 = arith.extui %sign3A_11 : i1 to i32
    %sign3A_13 = arith.constant 0 : i32
    %sign3A_14 = arith.cmpi slt, %jit3A, %sign3A_13 : i32
    %sign3A_15 = arith.extui %sign3A_14 : i1 to i32
    %sign3A_16 = arith.subi %sign3A_12, %sign3A_15 : i32
    %ne3A = vector.broadcast %sign3A_16 : i32 to vector<2048x128xi32>
    %ne3A_17 = arith.cmpi ne, %sign3A_9, %ne3A : vector<2048x128xi32>
    %rem3A = vector.broadcast %jit3A : i32 to vector<2048x128xi32>
    %rem3A_18 = arith.remsi %iota3A_0, %rem3A : vector<2048x128xi32>
    %ne3A_19 = arith.constant 0 : i32
    %ne3A_20 = vector.broadcast %ne3A_19 : i32 to vector<2048x128xi32>
    %ne3A_21 = arith.cmpi ne, %rem3A_18, %ne3A_20 : vector<2048x128xi32>
    %and3A = arith.andi %ne3A_17, %ne3A_21 : vector<2048x128xi1>
    %sub3A = arith.constant 1 : i32
    %sub3A_22 = vector.broadcast %sub3A : i32 to vector<2048x128xi32>
    %sub3A_23 = arith.subi %div3A_1, %sub3A_22 : vector<2048x128xi32>
    %select_n3A = arith.select %and3A, %sub3A_23, %div3A_1 : vector<2048x128xi1>, vector<2048x128xi32>
    %jit3A_24 = arith.constant 8 : i32
    %eq3A = arith.constant 0 : i32
    %eq3A_25 = arith.cmpi eq, %jit3A_24, %eq3A : i32
    %jit3A_26 = arith.constant 1 : i32
    %select_n3A_27 = arith.select %eq3A_25, %jit3A_26, %jit3A_24 : i32
    %rem3A_28 = vector.broadcast %select_n3A_27 : i32 to vector<2048x128xi32>
    %rem3A_29 = arith.remsi %iota3A, %rem3A_28 : vector<2048x128xi32>
    %ne3A_30 = arith.constant 0 : i32
    %ne3A_31 = vector.broadcast %ne3A_30 : i32 to vector<2048x128xi32>
    %ne3A_32 = arith.cmpi ne, %rem3A_29, %ne3A_31 : vector<2048x128xi32>
    %lt3A = arith.constant 0 : i32
    %lt3A_33 = vector.broadcast %lt3A : i32 to vector<2048x128xi32>
    %lt3A_34 = arith.cmpi slt, %rem3A_29, %lt3A_33 : vector<2048x128xi32>
    %lt3A_35 = arith.constant 0 : i32
    %lt3A_36 = arith.cmpi slt, %select_n3A_27, %lt3A_35 : i32
    %ne3A_37 = vector.broadcast %lt3A_36 : i1 to vector<2048x128xi1>
    %ne3A_38 = vector.broadcast %ne3A_37 : vector<2048x128xi1> to vector<2048x128xi1>
    %ne3A_39 = arith.xori %lt3A_34, %ne3A_38 : vector<2048x128xi1>
    %and3A_40 = arith.andi %ne3A_39, %ne3A_32 : vector<2048x128xi1>
    %add3A = vector.broadcast %select_n3A_27 : i32 to vector<2048x128xi32>
    %add3A_41 = arith.addi %rem3A_29, %add3A : vector<2048x128xi32>
    %select_n3A_42 = arith.select %and3A_40, %add3A_41, %rem3A_29 : vector<2048x128xi1>, vector<2048x128xi32>
    %eq3A_43 = arith.cmpi eq, %select_n3A, %select_n3A_42 : vector<2048x128xi32>
    %convert_element_type3A = arith.extui %eq3A_43 : vector<2048x128xi1> to vector<2048x128xi32>
    %convert_element_type3A_44 = arith.sitofp %convert_element_type3A : vector<2048x128xi32> to vector<2048x128xf32>
    %iota3A_45 = tpu.iota {dimensions = array<i32: 0>} : vector<16x128xi32>
    %iota3A_46 = tpu.iota {dimensions = array<i32: 1>} : vector<16x128xi32>
    %jit3A_47 = arith.constant 16 : i32
    %eq3A_48 = arith.constant 0 : i32
    %eq3A_49 = arith.cmpi eq, %jit3A_47, %eq3A_48 : i32
    %jit3A_50 = arith.constant 1 : i32
    %select_n3A_51 = arith.select %eq3A_49, %jit3A_50, %jit3A_47 : i32
    %rem3A_52 = vector.broadcast %select_n3A_51 : i32 to vector<16x128xi32>
    %rem3A_53 = arith.remsi %iota3A_46, %rem3A_52 : vector<16x128xi32>
    %ne3A_54 = arith.constant 0 : i32
    %ne3A_55 = vector.broadcast %ne3A_54 : i32 to vector<16x128xi32>
    %ne3A_56 = arith.cmpi ne, %rem3A_53, %ne3A_55 : vector<16x128xi32>
    %lt3A_57 = arith.constant 0 : i32
    %lt3A_58 = vector.broadcast %lt3A_57 : i32 to vector<16x128xi32>
    %lt3A_59 = arith.cmpi slt, %rem3A_53, %lt3A_58 : vector<16x128xi32>
    %lt3A_60 = arith.constant 0 : i32
    %lt3A_61 = arith.cmpi slt, %select_n3A_51, %lt3A_60 : i32
    %ne3A_62 = vector.broadcast %lt3A_61 : i1 to vector<16x128xi1>
    %ne3A_63 = vector.broadcast %ne3A_62 : vector<16x128xi1> to vector<16x128xi1>
    %ne3A_64 = arith.xori %lt3A_59, %ne3A_63 : vector<16x128xi1>
    %and3A_65 = arith.andi %ne3A_64, %ne3A_56 : vector<16x128xi1>
    %add3A_66 = vector.broadcast %select_n3A_51 : i32 to vector<16x128xi32>
    %add3A_67 = arith.addi %rem3A_53, %add3A_66 : vector<16x128xi32>
    %select_n3A_68 = arith.select %and3A_65, %add3A_67, %rem3A_53 : vector<16x128xi1>, vector<16x128xi32>
    %eq3A_69 = arith.cmpi eq, %iota3A_45, %select_n3A_68 : vector<16x128xi32>
    %convert_element_type3A_70 = arith.extui %eq3A_69 : vector<16x128xi1> to vector<16x128xi32>
    %convert_element_type3A_71 = arith.sitofp %convert_element_type3A_70 : vector<16x128xi32> to vector<16x128xf32>
    %get3A = arith.constant 0 : index
    %get3A_72 = arith.constant 0 : index
    %get3A_73 = vector.load %arg1[%get3A, %get3A_72] : memref<16x2048xf32, #tpu.memory_space<vmem>>, vector<16x2048xf32>
    %dot_general3A = arith.constant dense<0.000000e+00> : vector<2048x128xf32>
    %dot_general3A_74 = tpu.matmul %get3A_73, %convert_element_type3A_71, %dot_general3A {dimension_numbers = #tpu.dot_dimension_numbers<[0], [0], [1], [1], [0, 1, 1, 1], [], []>, transpose_lhs_hint = false} : vector<16x2048xf32>, vector<16x128xf32>, vector<2048x128xf32> -> vector<2048x128xf32>
    %mul3A = arith.mulf %dot_general3A_74, %convert_element_type3A_44 : vector<2048x128xf32>
    %reshape3A = vector.shape_cast %mul3A : vector<2048x128xf32> to vector<256x8x128xf32>
    %reduce_sum3A = arith.constant dense<0.000000e+00> : vector<256x128xf32>
    %reduce_sum3A_75 = vector.multi_reduction <add>, %reshape3A, %reduce_sum3A [1] : vector<256x8x128xf32> to vector<256x128xf32>
    %swap3A = arith.constant 0 : index
    %swap3A_76 = arith.constant 0 : index
    %swap3A_77 = vector.load %arg4[%swap3A, %swap3A_76] : memref<256x128xf32, #tpu.memory_space<vmem>>, vector<256x128xf32>
    tpu.vector_store %arg4[%swap3A, %swap3A_76], %reduce_sum3A_75 {strides = array<i32>} : memref<256x128xf32, #tpu.memory_space<vmem>>, vector<256x128xf32>,
    %get3A_78 = arith.constant 0 : index
    %get3A_79 = arith.constant 0 : index
    %get3A_80 = vector.load %arg2[%get3A_78, %get3A_79] : memref<16x2048xf32, #tpu.memory_space<vmem>>, vector<16x2048xf32>
    %dot_general3A_81 = arith.constant dense<0.000000e+00> : vector<2048x128xf32>
    %dot_general3A_82 = tpu.matmul %get3A_80, %convert_element_type3A_71, %dot_general3A_81 {dimension_numbers = #tpu.dot_dimension_numbers<[0], [0], [1], [1], [0, 1, 1, 1], [], []>, transpose_lhs_hint = false} : vector<16x2048xf32>, vector<16x128xf32>, vector<2048x128xf32> -> vector<2048x128xf32>
    %mul3A_83 = arith.mulf %dot_general3A_82, %convert_element_type3A_44 : vector<2048x128xf32>
    %reshape3A_84 = vector.shape_cast %mul3A_83 : vector<2048x128xf32> to vector<256x8x128xf32>
    %reduce_sum3A_85 = arith.constant dense<0.000000e+00> : vector<256x128xf32>
    %reduce_sum3A_86 = vector.multi_reduction <add>, %reshape3A_84, %reduce_sum3A_85 [1] : vector<256x8x128xf32> to vector<256x128xf32>
    %swap3A_87 = arith.constant 0 : index
    %swap3A_88 = arith.constant 0 : index
    %swap3A_89 = vector.load %arg5[%swap3A_87, %swap3A_88] : memref<256x128xf32, #tpu.memory_space<vmem>>, vector<256x128xf32>
    tpu.vector_store %arg5[%swap3A_87, %swap3A_88], %reduce_sum3A_86 {strides = array<i32>} : memref<256x128xf32, #tpu.memory_space<vmem>>, vector<256x128xf32>,
    %get3A_90 = arith.constant 0 : index
    %get3A_91 = arith.constant 0 : index
    %get3A_92 = vector.load %arg3[%get3A_90, %get3A_91] : memref<16x2048xf32, #tpu.memory_space<vmem>>, vector<16x2048xf32>
    %dot_general3A_93 = arith.constant dense<0.000000e+00> : vector<2048x128xf32>
    %dot_general3A_94 = tpu.matmul %get3A_92, %convert_element_type3A_71, %dot_general3A_93 {dimension_numbers = #tpu.dot_dimension_numbers<[0], [0], [1], [1], [0, 1, 1, 1], [], []>, transpose_lhs_hint = false} : vector<16x2048xf32>, vector<16x128xf32>, vector<2048x128xf32> -> vector<2048x128xf32>
    %mul3A_95 = arith.mulf %dot_general3A_94, %convert_element_type3A_44 : vector<2048x128xf32>
    %reshape3A_96 = vector.shape_cast %mul3A_95 : vector<2048x128xf32> to vector<256x8x128xf32>
    %reduce_sum3A_97 = arith.constant dense<0.000000e+00> : vector<256x128xf32>
    %reduce_sum3A_98 = vector.multi_reduction <add>, %reshape3A_96, %reduce_sum3A_97 [1] : vector<256x8x128xf32> to vector<256x128xf32>
    %swap3A_99 = arith.constant 0 : index
    %swap3A_100 = arith.constant 0 : index
    %swap3A_101 = vector.load %arg6[%swap3A_99, %swap3A_100] : memref<256x128xf32, #tpu.memory_space<vmem>>, vector<256x128xf32>
    tpu.vector_store %arg6[%swap3A_99, %swap3A_100], %reduce_sum3A_98 {strides = array<i32>} : memref<256x128xf32, #tpu.memory_space<vmem>>, vector<256x128xf32>,
    return
  }
  func.func @transform_0(%arg0: i32) -> (i32, i32) {
    %c0_i32 = arith.constant 0 : i32
    %c0_i32_0 = arith.constant 0 : i32
    return %c0_i32, %arg0 : i32, i32
  }
  func.func @transform_1(%arg0: i32) -> (i32, i32) {
    %c0_i32 = arith.constant 0 : i32
    %c0_i32_0 = arith.constant 0 : i32
    return %c0_i32, %arg0 : i32, i32
  }
  func.func @transform_2(%arg0: i32) -> (i32, i32) {
    %c0_i32 = arith.constant 0 : i32
    %c0_i32_0 = arith.constant 0 : i32
    return %c0_i32, %arg0 : i32, i32
  }
  func.func @transform_3(%arg0: i32) -> (i32, i32) {
    %c0_i32 = arith.constant 0 : i32
    %c0_i32_0 = arith.constant 0 : i32
    return %arg0, %c0_i32 : i32, i32
  }
  func.func @transform_4(%arg0: i32) -> (i32, i32) {
    %c0_i32 = arith.constant 0 : i32
    %c0_i32_0 = arith.constant 0 : i32
    return %arg0, %c0_i32 : i32, i32
  }
  func.func @transform_5(%arg0: i32) -> (i32, i32) {
    %c0_i32 = arith.constant 0 : i32
    %c0_i32_0 = arith.constant 0 : i32
    return %arg0, %c0_i32 : i32, i32
  }
}

module attributes {stable_mosaic.version = 14 : i64} {
  func.func @body(%arg0: i32, %arg1: memref<2048x48xf32, #tpu.memory_space<vmem>>, %arg2: memref<2048x48xf32, #tpu.memory_space<vmem>>, %arg3: memref<2048x48xf32, #tpu.memory_space<vmem>>, %arg4: memref<8x2048xf32, #tpu.memory_space<vmem>>, %arg5: memref<3x2048xf32, #tpu.memory_space<vmem>>, %arg6: memref<3x2048xf32, #tpu.memory_space<vmem>>, %arg7: memref<3x2048xf32, #tpu.memory_space<vmem>>, %arg8: memref<152x128xf32, #tpu.memory_space<vmem>>, %arg9: memref<1x128xf32, #tpu.memory_space<vmem>>, %arg10: memref<128x64xf32, #tpu.memory_space<vmem>>, %arg11: memref<1x64xf32, #tpu.memory_space<vmem>>, %arg12: memref<64x1xf32, #tpu.memory_space<vmem>>, %arg13: memref<1x1xf32, #tpu.memory_space<vmem>>, %arg14: memref<2048xf32, #tpu.memory_space<vmem>>) attributes {dimension_semantics = [#tpu.dimension_semantics<arbitrary>], iteration_bounds = array<i64: 8>, scalar_prefetch = 0 : i64, scratch_operands = 0 : i64, tpu.core_type = #tpu.core_type<tc>, window_params = [{transform_indices = @transform_0, window_bounds = array<i64: 2048, 48>}, {transform_indices = @transform_1, window_bounds = array<i64: 2048, 48>}, {transform_indices = @transform_2, window_bounds = array<i64: 2048, 48>}, {transform_indices = @transform_3, window_bounds = array<i64: 8, 2048>}, {transform_indices = @transform_4, window_bounds = array<i64: 3, 2048>}, {transform_indices = @transform_5, window_bounds = array<i64: 3, 2048>}, {transform_indices = @transform_6, window_bounds = array<i64: 3, 2048>}, {pipeline_mode = #tpu.pipeline_mode<synchronous>, transform_indices = @transform_7, window_bounds = array<i64: 152, 128>}, {pipeline_mode = #tpu.pipeline_mode<synchronous>, transform_indices = @transform_8, window_bounds = array<i64: 1, 128>}, {pipeline_mode = #tpu.pipeline_mode<synchronous>, transform_indices = @transform_9, window_bounds = array<i64: 128, 64>}, {pipeline_mode = #tpu.pipeline_mode<synchronous>, transform_indices = @transform_10, window_bounds = array<i64: 1, 64>}, {pipeline_mode = #tpu.pipeline_mode<synchronous>, transform_indices = @transform_11, window_bounds = array<i64: 64, 1>}, {pipeline_mode = #tpu.pipeline_mode<synchronous>, transform_indices = @transform_12, window_bounds = array<i64: 1, 1>}, {transform_indices = @transform_13, window_bounds = array<i64: 2048>}]} {
    %get3A = arith.constant 0 : index
    %get3A_0 = arith.constant 0 : index
    %get3A_1 = vector.load %arg1[%get3A, %get3A_0] : memref<2048x48xf32, #tpu.memory_space<vmem>>, vector<2048x48xf32>
    %get3A_2 = arith.constant 0 : index
    %get3A_3 = arith.constant 0 : index
    %get3A_4 = vector.load %arg2[%get3A_2, %get3A_3] : memref<2048x48xf32, #tpu.memory_space<vmem>>, vector<2048x48xf32>
    %get3A_5 = arith.constant 0 : index
    %get3A_6 = arith.constant 0 : index
    %get3A_7 = vector.load %arg3[%get3A_5, %get3A_6] : memref<2048x48xf32, #tpu.memory_space<vmem>>, vector<2048x48xf32>
    %get3A_8 = arith.constant 0 : index
    %get3A_9 = arith.constant 0 : index
    %get3A_10 = vector.load %arg4[%get3A_8, %get3A_9] : memref<8x2048xf32, #tpu.memory_space<vmem>>, vector<8x2048xf32>
    %transpose3A = tpu.transpose %get3A_10, [1, 0] : vector<8x2048xf32> -> vector<2048x8xf32>
    %concatenate3A = tpu.concatenate %get3A_1, %get3A_4, %get3A_7, %transpose3A in 1 : vector<2048x48xf32>, vector<2048x48xf32>, vector<2048x48xf32>, vector<2048x8xf32> -> vector<2048x152xf32>
    %get3A_11 = arith.constant 0 : index
    %get3A_12 = arith.constant 0 : index
    %get3A_13 = vector.load %arg8[%get3A_11, %get3A_12] : memref<152x128xf32, #tpu.memory_space<vmem>>, vector<152x128xf32>
    %dot_general3A = arith.constant dense<0.000000e+00> : vector<2048x128xf32>
    %dot_general3A_14 = tpu.matmul %concatenate3A, %get3A_13, %dot_general3A {dimension_numbers = #tpu.dot_dimension_numbers<[1], [0], [0], [1], [0, 0, 1, 1], [], []>, transpose_lhs_hint = false} : vector<2048x152xf32>, vector<152x128xf32>, vector<2048x128xf32> -> vector<2048x128xf32>
    %get3A_15 = arith.constant 0 : index
    %get3A_16 = arith.constant 0 : index
    %get3A_17 = vector.load %arg9[%get3A_15, %get3A_16] : memref<1x128xf32, #tpu.memory_space<vmem>>, vector<1x128xf32>
    %add3A = vector.broadcast %get3A_17 : vector<1x128xf32> to vector<2048x128xf32>
    %add3A_18 = arith.addf %dot_general3A_14, %add3A : vector<2048x128xf32>
    %max3A = arith.constant 0.000000e+00 : f32
    %max3A_19 = vector.broadcast %max3A : f32 to vector<2048x128xf32>
    %max3A_20 = arith.maximumf %add3A_18, %max3A_19 : vector<2048x128xf32>
    %get3A_21 = arith.constant 0 : index
    %get3A_22 = arith.constant 0 : index
    %get3A_23 = vector.load %arg10[%get3A_21, %get3A_22] : memref<128x64xf32, #tpu.memory_space<vmem>>, vector<128x64xf32>
    %dot_general3A_24 = arith.constant dense<0.000000e+00> : vector<2048x64xf32>
    %dot_general3A_25 = tpu.matmul %max3A_20, %get3A_23, %dot_general3A_24 {dimension_numbers = #tpu.dot_dimension_numbers<[1], [0], [0], [1], [0, 0, 1, 1], [], []>, transpose_lhs_hint = false} : vector<2048x128xf32>, vector<128x64xf32>, vector<2048x64xf32> -> vector<2048x64xf32>
    %get3A_26 = arith.constant 0 : index
    %get3A_27 = arith.constant 0 : index
    %get3A_28 = vector.load %arg11[%get3A_26, %get3A_27] : memref<1x64xf32, #tpu.memory_space<vmem>>, vector<1x64xf32>
    %add3A_29 = vector.broadcast %get3A_28 : vector<1x64xf32> to vector<2048x64xf32>
    %add3A_30 = arith.addf %dot_general3A_25, %add3A_29 : vector<2048x64xf32>
    %max3A_31 = arith.constant 0.000000e+00 : f32
    %max3A_32 = vector.broadcast %max3A_31 : f32 to vector<2048x64xf32>
    %max3A_33 = arith.maximumf %add3A_30, %max3A_32 : vector<2048x64xf32>
    %get3A_34 = arith.constant 0 : index
    %get3A_35 = arith.constant 0 : index
    %get3A_36 = vector.load %arg12[%get3A_34, %get3A_35] : memref<64x1xf32, #tpu.memory_space<vmem>>, vector<64x1xf32>
    %dot_general3A_37 = arith.constant dense<0.000000e+00> : vector<2048x1xf32>
    %dot_general3A_38 = tpu.matmul %max3A_33, %get3A_36, %dot_general3A_37 {dimension_numbers = #tpu.dot_dimension_numbers<[1], [0], [0], [1], [0, 0, 1, 1], [], []>, transpose_lhs_hint = false} : vector<2048x64xf32>, vector<64x1xf32>, vector<2048x1xf32> -> vector<2048x1xf32>
    %get3A_39 = arith.constant 0 : index
    %get3A_40 = arith.constant 0 : index
    %get3A_41 = vector.load %arg13[%get3A_39, %get3A_40] : memref<1x1xf32, #tpu.memory_space<vmem>>, vector<1x1xf32>
    %add3A_42 = vector.broadcast %get3A_41 : vector<1x1xf32> to vector<2048x1xf32>
    %add3A_43 = arith.addf %dot_general3A_38, %add3A_42 : vector<2048x1xf32>
    %get3A_44 = arith.constant 0 : index
    %get3A_45 = arith.constant 0 : index
    %get3A_46 = vector.load %arg5[%get3A_44, %get3A_45] : memref<3x2048xf32, #tpu.memory_space<vmem>>, vector<3x2048xf32>
    %reduce_sum3A = arith.constant dense<0.000000e+00> : vector<2048xf32>
    %reduce_sum3A_47 = vector.multi_reduction <add>, %get3A_46, %reduce_sum3A [0] : vector<3x2048xf32> to vector<2048xf32>
    %add3A_48 = arith.constant 0.000000e+00 : f32
    %add3A_49 = vector.broadcast %add3A_48 : f32 to vector<2048xf32>
    %add3A_50 = arith.addf %add3A_49, %reduce_sum3A_47 : vector<2048xf32>
    %get3A_51 = arith.constant 0 : index
    %get3A_52 = arith.constant 0 : index
    %get3A_53 = vector.load %arg6[%get3A_51, %get3A_52] : memref<3x2048xf32, #tpu.memory_space<vmem>>, vector<3x2048xf32>
    %reduce_sum3A_54 = arith.constant dense<0.000000e+00> : vector<2048xf32>
    %reduce_sum3A_55 = vector.multi_reduction <add>, %get3A_53, %reduce_sum3A_54 [0] : vector<3x2048xf32> to vector<2048xf32>
    %add3A_56 = arith.addf %add3A_50, %reduce_sum3A_55 : vector<2048xf32>
    %get3A_57 = arith.constant 0 : index
    %get3A_58 = arith.constant 0 : index
    %get3A_59 = vector.load %arg7[%get3A_57, %get3A_58] : memref<3x2048xf32, #tpu.memory_space<vmem>>, vector<3x2048xf32>
    %reduce_sum3A_60 = arith.constant dense<0.000000e+00> : vector<2048xf32>
    %reduce_sum3A_61 = vector.multi_reduction <add>, %get3A_59, %reduce_sum3A_60 [0] : vector<3x2048xf32> to vector<2048xf32>
    %add3A_62 = arith.addf %add3A_56, %reduce_sum3A_61 : vector<2048xf32>
    %squeeze3A = vector.shape_cast %add3A_43 : vector<2048x1xf32> to vector<2048xf32>
    %add3A_63 = arith.addf %squeeze3A, %add3A_62 : vector<2048xf32>
    %logistic3A = arith.negf %add3A_63 : vector<2048xf32>
    %logistic3A_64 = math.exp %logistic3A : vector<2048xf32>
    %logistic3A_65 = arith.constant 1.000000e+00 : f32
    %logistic3A_66 = vector.broadcast %logistic3A_65 : f32 to vector<2048xf32>
    %logistic3A_67 = arith.addf %logistic3A_66, %logistic3A_64 : vector<2048xf32>
    %logistic3A_68 = arith.divf %logistic3A_66, %logistic3A_67 : vector<2048xf32>
    %swap3A = arith.constant 0 : index
    %swap3A_69 = vector.load %arg14[%swap3A] : memref<2048xf32, #tpu.memory_space<vmem>>, vector<2048xf32>
    tpu.vector_store %arg14[%swap3A], %logistic3A_68 {strides = array<i32>} : memref<2048xf32, #tpu.memory_space<vmem>>, vector<2048xf32>,
    return
  }
  func.func @transform_0(%arg0: i32) -> (i32, i32) {
    %c0_i32 = arith.constant 0 : i32
    %c0_i32_0 = arith.constant 0 : i32
    return %arg0, %c0_i32 : i32, i32
  }
  func.func @transform_1(%arg0: i32) -> (i32, i32) {
    %c0_i32 = arith.constant 0 : i32
    %c0_i32_0 = arith.constant 0 : i32
    return %arg0, %c0_i32 : i32, i32
  }
  func.func @transform_2(%arg0: i32) -> (i32, i32) {
    %c0_i32 = arith.constant 0 : i32
    %c0_i32_0 = arith.constant 0 : i32
    return %arg0, %c0_i32 : i32, i32
  }
  func.func @transform_3(%arg0: i32) -> (i32, i32) {
    %c0_i32 = arith.constant 0 : i32
    %c0_i32_0 = arith.constant 0 : i32
    return %c0_i32, %arg0 : i32, i32
  }
  func.func @transform_4(%arg0: i32) -> (i32, i32) {
    %c0_i32 = arith.constant 0 : i32
    %c0_i32_0 = arith.constant 0 : i32
    return %c0_i32, %arg0 : i32, i32
  }
  func.func @transform_5(%arg0: i32) -> (i32, i32) {
    %c0_i32 = arith.constant 0 : i32
    %c0_i32_0 = arith.constant 0 : i32
    return %c0_i32, %arg0 : i32, i32
  }
  func.func @transform_6(%arg0: i32) -> (i32, i32) {
    %c0_i32 = arith.constant 0 : i32
    %c0_i32_0 = arith.constant 0 : i32
    return %c0_i32, %arg0 : i32, i32
  }
  func.func @transform_7(%arg0: i32) -> (i32, i32) {
    %c0_i32 = arith.constant 0 : i32
    %c0_i32_0 = arith.constant 0 : i32
    %c0_i32_1 = arith.constant 0 : i32
    return %c0_i32, %c0_i32_0 : i32, i32
  }
  func.func @transform_8(%arg0: i32) -> (i32, i32) {
    %c0_i32 = arith.constant 0 : i32
    %c0_i32_0 = arith.constant 0 : i32
    %c0_i32_1 = arith.constant 0 : i32
    return %c0_i32, %c0_i32_0 : i32, i32
  }
  func.func @transform_9(%arg0: i32) -> (i32, i32) {
    %c0_i32 = arith.constant 0 : i32
    %c0_i32_0 = arith.constant 0 : i32
    %c0_i32_1 = arith.constant 0 : i32
    return %c0_i32, %c0_i32_0 : i32, i32
  }
  func.func @transform_10(%arg0: i32) -> (i32, i32) {
    %c0_i32 = arith.constant 0 : i32
    %c0_i32_0 = arith.constant 0 : i32
    %c0_i32_1 = arith.constant 0 : i32
    return %c0_i32, %c0_i32_0 : i32, i32
  }
  func.func @transform_11(%arg0: i32) -> (i32, i32) {
    %c0_i32 = arith.constant 0 : i32
    %c0_i32_0 = arith.constant 0 : i32
    %c0_i32_1 = arith.constant 0 : i32
    return %c0_i32, %c0_i32_0 : i32, i32
  }
  func.func @transform_12(%arg0: i32) -> (i32, i32) {
    %c0_i32 = arith.constant 0 : i32
    %c0_i32_0 = arith.constant 0 : i32
    %c0_i32_1 = arith.constant 0 : i32
    return %c0_i32, %c0_i32_0 : i32, i32
  }
  func.func @transform_13(%arg0: i32) -> i32 {
    %c0_i32 = arith.constant 0 : i32
    return %arg0 : i32
  }
}

</mosaic_0001>

<sc_bundles>
// kernel: kernel.12.cloned.1.call-start
scs
__scs_entry_jumppad:
0x0: {  	(pc) =	sbr.rel $0x88, $3  }
0x1: {  	(tag) =	ssettag $0x0;
	lr =	simm.s32 $0x1  }
0x2: {  	[smem:$0x3F87] =	sst lr;
	_ =	strace $0xD0000000  }
0x3: {  	_ = 	snop  }
0x4: {  	_ = 	snop  }
0x5: {  	_ = 	snop  }
0x6: {  	_ = 	snop  }
0x7: {  	_ = 	snop  }
__scs_overlays_trampoline_lowered:
0x8: {  	[smem:$0x3F96] =	sst s0  }
0x9: {  	[smem:$0x3F97] =	sst s1  }
0xa: {  	[smem:$0x3F98] =	sst s2  }
0xb: {  	[smem:$0x3F99] =	sst s3  }
0xc: {  	[smem:$0x3F9A] =	sst s4  }
0xd: {  	[smem:$0x3F9B] =	sst s5  }
0xe: {  	[smem:$0x3F9C] =	sst s6  }
0xf: {  	[smem:$0x3F9D] =	sst s7  }
0x10: {  	[smem:$0x3F9E] =	sst s8  }
0x11: {  	[smem:$0x3F9F] =	sst s9;
	s0 =	simm.s32 @!p0 $0x0  }
0x12: {  	s1 =	sld [smem:$0x3F85];
	s0 =	simm.s32 @p0 $0x1  }
0x13: {  	[smem:$0x3FA0] =	sst s0;
	s0 =	simm.s32 @!p1 $0x0  }
0x14: {  	s2 =	sld [smem:$0x3F84];
	s0 =	simm.s32 @p1 $0x1  }
0x15: {  	[smem:$0x3FA1] =	sst s0;
	s0 =	simm.s32 @!p2 $0x0  }
0x16: {  	s3 =	sld [smem:$0x3FDB];
	s0 =	simm.s32 @p2 $0x1  }
0x17: {  	s4 =	simm.s32 $0x1BF5;
	[smem:$0x3FA3] =	sst s0  }
0x18: {  	s0 =	sld [smem:$0x3F86];
	_ =	swait.ge [sflag:s4], $0x0  }
0x19: {  	s7 =	sld [smem:$0x3F87]  }
0x1a: {  	s8 =	sadd.s32 $0xFFFFE003, lr  }
0x1b: {  	s9 =	sadd.s32 $0xFFFFFEF7, lr;
	s5 =	simm.s32 $0xFFFFFFFF;
	p2 =	slt.u32 s8, $0xFFFFF086  }
0x1c: {  	p1 =	slt.u32 s9, $0xF7A;
	s5 =	simm.s32 @!p2 $0x0  }
0x1d: {  	s5 =	simm.s32 @p1 $0x1;
	p0 =	seq.s32 s7, s2  }
0x1e: {  	s7 =	smul.u32 @!p0 $0xF7A, s2;
	p2 =	seq.s32 @!p0 s5, $0x0  }
0x1f: {  	s9 =	smul.u32 $0xF7A, s1;
	s8 =	simm.s32 @!p0 $0x1BF5;
	p2 =	por !p2, p0  }
0x20: {  	[sflag:s8] =	ssyncset.s32 @!p0 $0xFFFFF086;
	s6 =	sadd.s32 @!p0 s3, s7;
	s7 =	simm.s32 @!p0 $0x108  }
0x21: {  	s3 =	sadd.s32 s3, s9;
	s6 =	sadd.s32 @!p0 $0x88, s6;
	s7 =	simm.s32 @p2 $0x1082  }
0x22: {  	[simem:s7], [sflag:s8] =	dma.local @!p0 [hbm:s6], $0xF7A  }
0x23: {  	s9 =	sor.u32 $0xD0000000, s2;
	s6 =	simm.s32 $0x108;
	_ =	swait.ge @!p0 [sflag:s8], $0x0  }
0x24: {  	s3 =	sadd.s32 $0x88, s3;
	s6 =	simm.s32 @!p1 $0x1082;
	[sflag:s4] =	ssyncset.s32 $0xFFFFF086  }
0x25: {  	[simem:s6], [sflag:s4] =	dma.local [hbm:s3], $0xF7A  }
0x26: {  	[smem:$0x3F87] =	sst s1;
	(tag) =	ssettag s2;
	_ =	strace s9  }
0x27: {  	s1 =	sld [smem:$0x3F97]  }
0x28: {  	s2 =	sld [smem:$0x3F98]  }
0x29: {  	s4 =	sld [smem:$0x3F9A]  }
0x2a: {  	p0 =	seq.s32 s5, $0x0;
	s5 =	sld [smem:$0x3F9B]  }
0x2b: {  	s6 =	sld [smem:$0x3F9C]  }
0x2c: {  	s7 =	sld [smem:$0x3F9D]  }
0x2d: {  	s3 =	simm.s32 $0x108;
	s8 =	sld [smem:$0x3F9E]  }
0x2e: {  	s3 =	simm.s32 @!p0 $0x1082;
	s9 =	sld [smem:$0x3F9F]  }
0x2f: {  	lr =	sadd.s32 s0, s3;
	s0 =	sld [smem:$0x3F96]  }
0x30: {  	s3 =	sld [smem:$0x3F99]  }
0x31: {  	[smem:$0x3FA2] =	sst s10  }
0x32: {  	s10 =	sld [smem:$0x3FA0];
	_ =	sdelay $0x3  }
0x33: {  	p0 =	seq.s32 s10, $0x1;
	s10 =	sld [smem:$0x3FA2];
	_ =	sdelay $0x3  }
0x34: {  	[smem:$0x3FA2] =	sst s10  }
0x35: {  	s10 =	sld [smem:$0x3FA1];
	_ =	sdelay $0x3  }
0x36: {  	p1 =	seq.s32 s10, $0x1;
	s10 =	sld [smem:$0x3FA2];
	_ =	sdelay $0x3  }
0x37: {  	[smem:$0x3FA2] =	sst s10  }
0x38: {  	s10 =	sld [smem:$0x3FA3]  }
0x39: {  	_ = 	snop;
	(pc) =	sbr.ind lr, $3  }
0x3a: {  	_ = 	snop  }
0x3b: {  	_ = 	snop  }
0x3c: {  	p2 =	seq.s32 s10, $0x1;
	s10 =	sld [smem:$0x3FA2]  }
0x3d: {  	_ =	shalt  }
0x3e: {  	_ =	shalt  }
0x3f: {  	_ =	shalt  }
0x40: {  	_ =	shalt  }
0x41: {  	_ =	shalt  }
0x42: {  	_ =	shalt  }
0x43: {  	_ =	shalt  }
0x44: {  	_ =	shalt  }
0x45: {  	_ =	shalt  }
0x46: {  	_ =	shalt  }
0x47: {  	_ =	shalt  }
0x48: {  	_ =	shalt  }
0x49: {  	_ =	shalt  }
0x4a: {  	_ =	shalt  }
0x4b: {  	_ =	shalt  }
0x4c: {  	_ =	shalt  }
0x4d: {  	_ =	shalt  }
0x4e: {  	_ =	shalt  }
0x4f: {  	_ =	shalt  }
0x50: {  	_ =	shalt  }
0x51: {  	_ =	shalt  }
0x52: {  	_ =	shalt  }
0x53: {  	_ =	shalt  }
0x54: {  	_ =	shalt  }
0x55: {  	_ =	shalt  }
0x56: {  	_ =	shalt  }
0x57: {  	_ =	shalt  }
0x58: {  	_ =	shalt  }
0x59: {  	_ =	shalt  }
0x5a: {  	_ =	shalt  }
0x5b: {  	_ =	shalt  }
0x5c: {  	_ =	shalt  }
0x5d: {  	_ =	shalt  }
0x5e: {  	_ =	shalt  }
0x5f: {  	_ =	shalt  }
0x60: {  	_ =	shalt  }
0x61: {  	_ =	shalt  }
0x62: {  	_ =	shalt  }
0x63: {  	_ =	shalt  }
0x64: {  	_ =	shalt  }
0x65: {  	_ =	shalt  }
0x66: {  	_ =	shalt  }
0x67: {  	_ =	shalt  }
0x68: {  	_ =	shalt  }
0x69: {  	_ =	shalt  }
0x6a: {  	_ =	shalt  }
0x6b: {  	_ =	shalt  }
0x6c: {  	_ =	shalt  }
0x6d: {  	_ =	shalt  }
0x6e: {  	_ =	shalt  }
0x6f: {  	_ =	shalt  }
0x70: {  	_ =	shalt  }
0x71: {  	_ =	shalt  }
0x72: {  	_ =	shalt  }
0x73: {  	_ =	shalt  }
0x74: {  	_ =	shalt  }
0x75: {  	_ =	shalt  }
0x76: {  	_ =	shalt  }
0x77: {  	_ =	shalt  }
0x78: {  	_ =	shalt  }
0x79: {  	_ =	shalt  }
0x7a: {  	_ =	shalt  }
0x7b: {  	_ =	shalt  }
0x7c: {  	_ =	shalt  }
0x7d: {  	_ =	shalt  }
0x7e: {  	_ =	shalt  }
0x7f: {  	_ =	shalt  }
0x80: {  	_ =	shalt  }
0x81: {  	_ =	shalt  }
0x82: {  	_ =	shalt  }
0x83: {  	_ =	shalt  }
0x84: {  	_ =	shalt  }
0x85: {  	_ =	shalt  }
0x86: {  	_ =	shalt  }
0x87: {  	_ =	shalt  }
.Lfunc_end0:
.L_simem_size_0:
called_computation.1_lowered:
.L_overlay_start_0:
0x88: {  	s2 =	sld [smem:$0x3FD9]  }
0x89: {  	s3 =	sld [smem:$0x3FFE];
	_ =	sdelay $0x1  }
0x8a: {  	s1 =	srdreg.scid  }
0x8b: {  	s0 =	sand.u32 $0x1, s1  }
0x8c: {  	s17 =	sshll.u32 s0, $0xA;
	s2 =	sadd.s32 s3, s2  }
0x8d: {  	s2 =	sadd.s32 s2, s17  }
0x8e: {  	[smem:$0x3FAE] =	sst s2  }
0x8f: {  	_ = 	snop  }
0x90: {  	(tm) =	ssettm $0x1  }
0x91: {  	s18 =	sld [smem:$0x3FFB];
	_ =	sdelay $0x3  }
0x92: {  	_ =	strace s18  }
0x93: {  	s2 =	sld [smem:$0x3FFC];
	_ =	sdelay $0x3  }
0x94: {  	_ =	strace s2  }
0x95: {  	s2 =	sld [smem:$0x3FFD];
	_ =	sdelay $0x3  }
0x96: {  	_ =	strace s2  }
0x97: {  	_ =	strace $0x8FFFFFFF  }
0x98: {  	s19 =	sld [smem:$0x3FDB];
	_ =	sdelay $0x1  }
0x99: {  	s20 =	simm.s32 $_scs_section_size  }
0x9a: {  	s4 =	simm.s32 $_size__tile_overlayer_lowered;
	s5 =	simm.s32 $_tile_overlayer_lowered  }
0x9b: {  	s6 =	simm.s32 $0x1BFF;
	s21 =	sshll.u32 s5, $0x1;
	s3 =	sadd.s32 s20, s19  }
0x9c: {  	s22 =	simm.s32 $0x0;
	s4 =	sshll.u32 s4, $0x1;
	s5 =	sadd.s32 s21, s3  }
0x9d: {  	[timem:s22], [sflag:s6] =	dma.local [hbm:s5], s4  }
0x9e: {  	_ =	swait.ge [sflag:s6], s4  }
0x9f: {  	s4 =	ssub.s32 $0x0, s4;
	[sflag:s6] =	ssyncset.done $0x0  }
0xa0: {  	[sflag:s6] =	ssyncadd.s32 s4;
	_ =	sdelay $0x1  }
0xa1: {  	s23 =	simm.s32 $0x1B8B  }
0xa2: {  	_ =	swait.ge [sflag:s23], $0x1  }
0xa3: {  	[sflag:s23] =	ssyncset.done $0x0  }
0xa4: {  	[sflag:s23] =	ssyncadd.s32 $0xFFFFFFFF  }
0xa5: {  	s4 =	sld [smem:$0x0]  }
0xa6: {  	s5 =	sand.u32 $0xFFFFFFFE, s1  }
0xa7: {  	p0 =	sne.s32 s1, s5  }
0xa8: {  	s5 =	sshll.u32 @p0 s5, $0xE  }
0xa9: {  	s5 =	sadd.s32 @p0 $0x11B8D, s5;
	s6 =	sshll.u32 @p0 s4, $0x11  }
0xaa: {  	s5 =	sor.u32 @p0 s6, s5  }
0xab: {  	[sflag:s5] =	ssyncadd.remote.s32 @p0 $0x1;
	_ =	sdelay $0x1  }
0xac: {  	s5 =	simm.s32 @p0 $0x1B8D  }
0xad: {  	_ =	swait.eq @p0 [sflag:s5], $0x1  }
0xae: {  	[sflag:s5] =	ssyncadd.s32 @p0 $0xFFFFFFFF  }
0xaf: {  	s6 =	sshll.u32 @!p0 s1, $0xE  }
0xb0: {  	s6 =	sor.u32 @!p0 $0x4000, s6;
	s5 =	simm.s32 @!p0 $0x1B8D  }
0xb1: {  	s4 =	sshll.u32 @!p0 s4, $0x11;
	s6 =	sadd.s32 @!p0 $0x11B8D, s6;
	_ =	swait.eq @!p0 [sflag:s5], $0x1  }
0xb2: {  	s4 =	sor.u32 @!p0 s4, s6;
	[sflag:s5] =	ssyncadd.s32 @!p0 $0xFFFFFFFF  }
0xb3: {  	s25 =	simm.s32 $0x1B8E;
	s24 =	sld [smem:$0x3FFE];
	[sflag:s4] =	ssyncadd.remote.s32 @!p0 $0x1  }
0xb4: {  	s26 =	simm.s32 $execute0_lowered;
	[smem:$0x3FD2] =	sst s25  }
0xb5: {  	s5 =	sshll.u32 s26, $0x1;
	_ =	strace $0x80000049;
	[dreg:$0x1] =	wrdreg $0xFFFFFFFF  }
0xb6: {  	s28 =	simm.s32 $_size_execute0_lowered;
	s3 =	sadd.s32 s3, s5;
	[dreg:$0x0] =	wrdreg $0x0  }
0xb7: {  	s5 =	sshll.u32 s28, $0x1;
	[dreg:$0x2] =	wrdreg s3  }
0xb8: {  	[dreg:$0x3] =	wrdreg s5  }
0xb9: {  	[dreg:$0x4] =	wrdreg $0xC0  }
0xba: {  	_ =	task [dreg:s22], $0x5FFFF  }
0xbb: {  	[dreg:$0x1] =	wrdreg $0xFFFFFFFF  }
0xbc: {  	[dreg:$0x0] =	wrdreg $0x60  }
0xbd: {  	[dreg:$0x2] =	wrdreg s24  }
0xbe: {  	[dreg:$0x3] =	wrdreg $0xA  }
0xbf: {  	_ =	task.clear_ibuf [dreg:s22], $0x4FFFF;
	_ =	strace $0x90000049  }
0xc0: {  	s29 =	simm.s32 $0xA;
	_ =	strace $0x8000004B  }
0xc1: {  	_ =	swait.ge [sflag:s29], $0x1  }
0xc2: {  	[sflag:s29] =	ssyncadd.s32 $0xFFFFFFFF  }
0xc3: {  	_ =	strace $0x9000004B  }
0xc4: {  	_ =	sfence  }
0xc5: {  	s30 =	sld [smem:$0x0];
	_ =	sdelay $0x2  }
0xc6: {  	s31 =	sshll.u32 s1, $0xD;
	s1 =	sshrl.u32 s1, $0x2  }
0xc7: {  	s4 =	sand.u32 $0x4000, s31;
	s1 =	sadd.s32 s1, s30  }
0xc8: {  	s0 =	sor.u32 s4, s0;
	s1 =	sshll.u32 s1, $0x11  }
0xc9: {  	s0 =	sor.u32 s1, s0  }
0xca: {  	s0 =	sadd.s32 $0x8F2B, s0  }
0xcb: {  	[sflag:s0] =	ssyncadd.remote.s32 $0x1  }
0xcc: {  	_ =	sfence.sel $0xFFFF  }
0xcd: {  	[dreg:$0x0] =	wrdreg $0xFFFFFFFF;
	(pc) =	sbr.abs _section_cstart, $3  }
0xce: {  	[dreg:$0x1] =	wrdreg $0xFFFFFFFF  }
0xcf: {  	_ =	task.clear_ibuf [dreg:s22], $0x2FFFF;
	_ =	strace $0x9FFFFFFF  }
0xd0: {  	(tm) =	ssettm $0x7FFFFFFF  }
0xd1: {  	_ =	shalt  }
tec
execute0_lowered:
.L_overlay_start_1:
0x0: {  	(tag) =	ssettag $0x1  }
0x1: {  	s1 =	srdreg.scid  }
0x2: {  	s0 =	stileid.u32;
	s24 =	sand.u32 $0x1, s1  }
0x3: {  	s30 =	sshll.u32 s0, $0xA;
	s2 =	sshll.u32 s24, $0x9  }
0x4: {  	s22 =	rddreg [dreg:$0x0];
	s8 =	sor.u32 s2, s30  }
0x5: {  	s1 =	rddreg [dreg:$0x1];
	s2 =	simm.s32 $0x0;
	s3 =	sshrl.u32 s8, $0x3  }
0x6: {  	[smem:$0x7FF] =	sst s2;
	s25 =	sadd.s32 s3, s22  }
0x7: {  	_ =	strace $0x8000004A;
	s3 =	simm.s32 $0x3;
	s4 =	sadd.s32 $0x4400, s25  }
0x8: {  	[tilespmem:s2], [sflag:$0x3] =	stream.linear.gather [hbm4b:s4+s2], $0x200, $0x38;
	[tilespmem:$0x2400] =	vst v63  }
0x9: {  	_ =	swait.ge [sflag:s3], $0x200  }
0xa: {  	s7 =	simm.s32 $0x200;
	[sflag:s3] =	ssyncset.done $0x0  }
0xb: {  	s9 =	simm.s32 $0x1;
	s6 =	sadd.s32 $0xEE200, s22;
	[sflag:s3] =	ssyncadd.s32 $0xFFFFFE00  }
0xc: {  	[tilespmem:s7], [sflag:$0x1] =	stream.indirect.gather [hbm4b:s6+s7], $0x10, s2, s7, $0xb8;
	[tilespmem:$0x2400] =	vst v63  }
0xd: {  	s5 =	sadd.s32 $0x153400, s22;
	s10 =	smul.u32 $0x6, s8;
	s8 =	simm.s32 $0x2200  }
0xe: {  	[tilespmem:s8], [sflag:$0x2] =	stream.indirect.gather [hbm4b:s5+s7], $0x1, s2, s7, $0xb8;
	[tilespmem:$0x2400] =	vst v63  }
0xf: {  	_ =	swait.ge [sflag:s9], $0x2000  }
0x10: {  	s11 =	simm.s32 $0x10;
	s23 =	sadd.s32 s10, s22;
	[sflag:s9] =	ssyncset.done $0x0  }
0x11: {  	s12 =	simm.s32 $0x30;
	s10 =	sadd.s32 $0x159800, s23;
	[sflag:s9] =	ssyncadd.s32 $0xFFFFE000  }
0x12: {  	[hbm4b:s10+s11] =	stream.strided.scatter [tilespmem:s7], [sflag:$0x3], $0x2000, s12, s11, $0x38;
	[tilespmem:$0x2400] =	vst v63  }
0x13: {  	_ =	swait.ge [sflag:s3], $0x2000  }
0x14: {  	[sflag:s3] =	ssyncset.done $0x0  }
0x15: {  	s13 =	simm.s32 $0x2;
	[sflag:s3] =	ssyncadd.s32 $0xFFFFE000  }
0x16: {  	_ =	swait.ge [sflag:s13], $0x200  }
0x17: {  	[sflag:s13] =	ssyncset.done $0x0  }
0x18: {  	s14 =	sadd.s32 $0x171800, s25;
	[sflag:s13] =	ssyncadd.s32 $0xFFFFFE00  }
0x19: {  	[hbm4b:s14+s2] =	stream.linear.scatter [tilespmem:s8], [sflag:$0x3], $0x200, $0x38;
	[tilespmem:$0x2400] =	vst v63  }
0x1a: {  	_ =	swait.ge [sflag:s3], $0x200  }
0x1b: {  	[sflag:s3] =	ssyncset.done $0x0  }
0x1c: {  	s15 =	sadd.s32 $0x4C00, s25;
	[sflag:s3] =	ssyncadd.s32 $0xFFFFFE00  }
0x1d: {  	[tilespmem:s2], [sflag:$0x3] =	stream.linear.gather [hbm4b:s15+s2], $0x200, $0x38;
	[tilespmem:$0x2400] =	vst v63  }
0x1e: {  	_ =	swait.ge [sflag:s3], $0x200  }
0x1f: {  	[sflag:s3] =	ssyncset.done $0x0  }
0x20: {  	s16 =	sadd.s32 $0x11F200, s22;
	[sflag:s3] =	ssyncadd.s32 $0xFFFFFE00  }
0x21: {  	[tilespmem:s7], [sflag:$0x1] =	stream.indirect.gather [hbm4b:s16+s7], $0x10, s2, s7, $0xb8;
	[tilespmem:$0x2400] =	vst v63  }
0x22: {  	s17 =	sadd.s32 $0x150200, s22  }
0x23: {  	[tilespmem:s8], [sflag:$0x2] =	stream.indirect.gather [hbm4b:s17+s7], $0x1, s2, s7, $0xb8;
	[tilespmem:$0x2400] =	vst v63  }
0x24: {  	_ =	swait.ge [sflag:s9], $0x2000  }
0x25: {  	[sflag:s9] =	ssyncset.done $0x0  }
0x26: {  	s18 =	sadd.s32 $0x159802, s23;
	[sflag:s9] =	ssyncadd.s32 $0xFFFFE000  }
0x27: {  	[hbm4b:s18+s11] =	stream.strided.scatter [tilespmem:s7], [sflag:$0x3], $0x2000, s12, s11, $0x38;
	[tilespmem:$0x2400] =	vst v63  }
0x28: {  	_ =	swait.ge [sflag:s3], $0x2000  }
0x29: {  	[sflag:s3] =	ssyncset.done $0x0  }
0x2a: {  	[sflag:s3] =	ssyncadd.s32 $0xFFFFE000  }
0x2b: {  	_ =	swait.ge [sflag:s13], $0x200  }
0x2c: {  	[sflag:s13] =	ssyncset.done $0x0  }
0x2d: {  	s19 =	sadd.s32 $0x172000, s25;
	[sflag:s13] =	ssyncadd.s32 $0xFFFFFE00  }
0x2e: {  	[hbm4b:s19+s2] =	stream.linear.scatter [tilespmem:s8], [sflag:$0x3], $0x200, $0x38;
	[tilespmem:$0x2400] =	vst v63  }
0x2f: {  	_ =	swait.ge [sflag:s3], $0x200  }
0x30: {  	[sflag:s3] =	ssyncset.done $0x0  }
0x31: {  	s20 =	sadd.s32 $0x5400, s25;
	[sflag:s3] =	ssyncadd.s32 $0xFFFFFE00  }
0x32: {  	[tilespmem:s2], [sflag:$0x3] =	stream.linear.gather [hbm4b:s20+s2], $0x200, $0x38;
	[tilespmem:$0x2400] =	vst v63  }
0x33: {  	_ =	swait.ge [sflag:s3], $0x200  }
0x34: {  	[sflag:s3] =	ssyncset.done $0x0  }
0x35: {  	s21 =	sadd.s32 $0xBD200, s22;
	[sflag:s3] =	ssyncadd.s32 $0xFFFFFE00  }
0x36: {  	[tilespmem:s7], [sflag:$0x1] =	stream.indirect.gather [hbm4b:s21+s7], $0x10, s2, s7, $0xb8;
	[tilespmem:$0x2400] =	vst v63  }
0x37: {  	s22 =	sadd.s32 $0x156600, s22  }
0x38: {  	[tilespmem:s8], [sflag:$0x2] =	stream.indirect.gather [hbm4b:s22+s7], $0x1, s2, s7, $0xb8;
	[tilespmem:$0x2400] =	vst v63  }
0x39: {  	_ =	swait.ge [sflag:s9], $0x2000  }
0x3a: {  	[sflag:s9] =	ssyncset.done $0x0  }
0x3b: {  	s24 =	ssub.s32 $0x2, s24;
	s23 =	sadd.s32 $0x159804, s23;
	[sflag:s9] =	ssyncadd.s32 $0xFFFFE000  }
0x3c: {  	[hbm4b:s23+s11] =	stream.strided.scatter [tilespmem:s7], [sflag:$0x3], $0x2000, s12, s11, $0x38;
	[tilespmem:$0x2400] =	vst v63  }
0x3d: {  	s26 =	sshrl.u32 s24, $0x1;
	_ =	swait.ge [sflag:s3], $0x2000  }
0x3e: {  	s26 =	ssub.s32 s24, s26;
	[sflag:s3] =	ssyncset.done $0x0  }
0x3f: {  	s31 =	smax.u32 s26, $0x1;
	[sflag:s3] =	ssyncadd.s32 $0xFFFFE000  }
0x40: {  	p0 =	sne.s32 s31, $0x1;
	_ =	swait.ge [sflag:s13], $0x200  }
.Ltmp0:
0x41: {  	[sflag:s13] =	ssyncset.done $0x0;
	(pc) =	sbr.rel @!p0 .LBB2_2-.Ltmp0, $4  }
0x42: {  	s24 =	sadd.s32 $0x172800, s25;
	[sflag:s13] =	ssyncadd.s32 $0xFFFFFE00  }
0x43: {  	[hbm4b:s24+s2] =	stream.linear.scatter [tilespmem:s8], [sflag:$0x3], $0x200, $0x38;
	[tilespmem:$0x2400] =	vst v63  }
0x44: {  	_ =	swait.ge [sflag:s3], $0x200  }
0x45: {  	s25 =	sadd.s32 $0xFFFFFFFF, s31;
	[sflag:s3] =	ssyncset.done $0x0  }
.LBB2_1:
0x46: {  	p0 =	sne.s32 s25, $0x1;
	s25 =	sadd.s32 $0xFFFFFFFF, s25;
	[sflag:s3] =	ssyncadd.s32 $0xFFFFFE00  }
0x47: {  	[tilespmem:s2], [sflag:$0x3] =	stream.linear.gather [hbm4b:s4+s2], $0x200, $0x38;
	[tilespmem:$0x2400] =	vst v63  }
0x48: {  	_ =	swait.ge [sflag:s3], $0x200  }
0x49: {  	[sflag:s3] =	ssyncset.done $0x0  }
0x4a: {  	[sflag:s3] =	ssyncadd.s32 $0xFFFFFE00  }
0x4b: {  	[tilespmem:s7], [sflag:$0x1] =	stream.indirect.gather [hbm4b:s6+s7], $0x10, s2, s7, $0xb8;
	[tilespmem:$0x2400] =	vst v63  }
0x4c: {  	_ = 	snop  }
0x4d: {  	[tilespmem:s8], [sflag:$0x2] =	stream.indirect.gather [hbm4b:s5+s7], $0x1, s2, s7, $0xb8;
	[tilespmem:$0x2400] =	vst v63  }
0x4e: {  	_ =	swait.ge [sflag:s9], $0x2000  }
0x4f: {  	[sflag:s9] =	ssyncset.done $0x0  }
0x50: {  	[sflag:s9] =	ssyncadd.s32 $0xFFFFE000  }
0x51: {  	[hbm4b:s10+s11] =	stream.strided.scatter [tilespmem:s7], [sflag:$0x3], $0x2000, s12, s11, $0x38;
	[tilespmem:$0x2400] =	vst v63  }
0x52: {  	_ =	swait.ge [sflag:s3], $0x2000  }
0x53: {  	[sflag:s3] =	ssyncset.done $0x0  }
0x54: {  	[sflag:s3] =	ssyncadd.s32 $0xFFFFE000  }
0x55: {  	_ =	swait.ge [sflag:s13], $0x200  }
0x56: {  	[sflag:s13] =	ssyncset.done $0x0  }
0x57: {  	[sflag:s13] =	ssyncadd.s32 $0xFFFFFE00  }
0x58: {  	[hbm4b:s14+s2] =	stream.linear.scatter [tilespmem:s8], [sflag:$0x3], $0x200, $0x38;
	[tilespmem:$0x2400] =	vst v63  }
0x59: {  	_ =	swait.ge [sflag:s3], $0x200  }
0x5a: {  	[sflag:s3] =	ssyncset.done $0x0  }
0x5b: {  	[sflag:s3] =	ssyncadd.s32 $0xFFFFFE00  }
0x5c: {  	[tilespmem:s2], [sflag:$0x3] =	stream.linear.gather [hbm4b:s15+s2], $0x200, $0x38;
	[tilespmem:$0x2400] =	vst v63  }
0x5d: {  	_ =	swait.ge [sflag:s3], $0x200  }
0x5e: {  	[sflag:s3] =	ssyncset.done $0x0  }
0x5f: {  	[sflag:s3] =	ssyncadd.s32 $0xFFFFFE00  }
0x60: {  	[tilespmem:s7], [sflag:$0x1] =	stream.indirect.gather [hbm4b:s16+s7], $0x10, s2, s7, $0xb8;
	[tilespmem:$0x2400] =	vst v63  }
0x61: {  	_ = 	snop  }
0x62: {  	[tilespmem:s8], [sflag:$0x2] =	stream.indirect.gather [hbm4b:s17+s7], $0x1, s2, s7, $0xb8;
	[tilespmem:$0x2400] =	vst v63  }
0x63: {  	_ =	swait.ge [sflag:s9], $0x2000  }
0x64: {  	[sflag:s9] =	ssyncset.done $0x0  }
0x65: {  	[sflag:s9] =	ssyncadd.s32 $0xFFFFE000  }
0x66: {  	[hbm4b:s18+s11] =	stream.strided.scatter [tilespmem:s7], [sflag:$0x3], $0x2000, s12, s11, $0x38;
	[tilespmem:$0x2400] =	vst v63  }
0x67: {  	_ =	swait.ge [sflag:s3], $0x2000  }
0x68: {  	[sflag:s3] =	ssyncset.done $0x0  }
0x69: {  	[sflag:s3] =	ssyncadd.s32 $0xFFFFE000  }
0x6a: {  	_ =	swait.ge [sflag:s13], $0x200  }
0x6b: {  	[sflag:s13] =	ssyncset.done $0x0  }
0x6c: {  	[sflag:s13] =	ssyncadd.s32 $0xFFFFFE00  }
0x6d: {  	[hbm4b:s19+s2] =	stream.linear.scatter [tilespmem:s8], [sflag:$0x3], $0x200, $0x38;
	[tilespmem:$0x2400] =	vst v63  }
0x6e: {  	_ =	swait.ge [sflag:s3], $0x200  }
0x6f: {  	[sflag:s3] =	ssyncset.done $0x0  }
0x70: {  	[sflag:s3] =	ssyncadd.s32 $0xFFFFFE00  }
0x71: {  	[tilespmem:s2], [sflag:$0x3] =	stream.linear.gather [hbm4b:s20+s2], $0x200, $0x38;
	[tilespmem:$0x2400] =	vst v63  }
0x72: {  	_ =	swait.ge [sflag:s3], $0x200  }
0x73: {  	[sflag:s3] =	ssyncset.done $0x0  }
0x74: {  	[sflag:s3] =	ssyncadd.s32 $0xFFFFFE00  }
0x75: {  	[tilespmem:s7], [sflag:$0x1] =	stream.indirect.gather [hbm4b:s21+s7], $0x10, s2, s7, $0xb8;
	[tilespmem:$0x2400] =	vst v63  }
0x76: {  	_ = 	snop  }
0x77: {  	[tilespmem:s8], [sflag:$0x2] =	stream.indirect.gather [hbm4b:s22+s7], $0x1, s2, s7, $0xb8;
	[tilespmem:$0x2400] =	vst v63  }
0x78: {  	_ =	swait.ge [sflag:s9], $0x2000  }
0x79: {  	[sflag:s9] =	ssyncset.done $0x0  }
0x7a: {  	[sflag:s9] =	ssyncadd.s32 $0xFFFFE000  }
0x7b: {  	[hbm4b:s23+s11] =	stream.strided.scatter [tilespmem:s7], [sflag:$0x3], $0x2000, s12, s11, $0x38;
	[tilespmem:$0x2400] =	vst v63  }
0x7c: {  	_ =	swait.ge [sflag:s3], $0x2000  }
0x7d: {  	[sflag:s3] =	ssyncset.done $0x0  }
0x7e: {  	[sflag:s3] =	ssyncadd.s32 $0xFFFFE000  }
0x7f: {  	_ =	swait.ge [sflag:s13], $0x200  }
.Ltmp1:
0x80: {  	[sflag:s13] =	ssyncset.done $0x0;
	(pc) =	sbr.rel @p0 .LBB2_1-.Ltmp1, $4  }
0x81: {  	[sflag:s13] =	ssyncadd.s32 $0xFFFFFE00  }
0x82: {  	[hbm4b:s24+s2] =	stream.linear.scatter [tilespmem:s8], [sflag:$0x3], $0x200, $0x38;
	[tilespmem:$0x2400] =	vst v63  }
0x83: {  	_ =	swait.ge [sflag:s3], $0x200  }
0x84: {  	[sflag:s3] =	ssyncset.done $0x0  }
.LBB2_2:
0x85: {  	[sflag:s3] =	ssyncadd.s32 $0xFFFFFE00  }
0x86: {  	_ =	sfence.sel $0x180000  }
0x87: {  	[bflag:$0x0] =	sbarrier.arrive $0xFFFF  }
0x88: {  	p0 =	sne.s32 s0, $0x0;
	_ =	strace $0x9000004A  }
0x89: {  	s0 =	sadd.s32 @!p0 $0x100000, s1;
	[bflag:$0x2] =	sbarrier.arrive $0xFFFF  }
0x8a: {  	[sflag:s0] =	ssyncadd.tile.s32 @!p0 $0x1;
	_ =	shalt  }
.Lfunc_end2:
_tile_overlayer_lowered:
.L_overlay_start_2:
0x8b: {  	(tag) =	ssettag $0x2  }
0x8c: {  	s0 =	rddreg [dreg:$0x0];
	s2 =	stileid.u32  }
0x8d: {  	s1 =	rddreg [dreg:$0x1];
	p0 =	sne.s32 s2, $0x0  }
0x8e: {  	s3 =	rddreg [dreg:$0x2];
	[bflag:$0x3] =	sbarrier.arrive $0xFFFF;
	s2 =	simm.s32 @!p0 $0x1C03  }
0x8f: {  	[timem:s3], [sflag:s2] =	dma.local @!p0 [hbm:s0], s1  }
0x90: {  	s0 =	simm.s32 @!p0 $0x3  }
0x91: {  	_ =	swait.ge @!p0 [sflag:s0], s1  }
0x92: {  	s1 =	ssub.s32 @!p0 $0x0, s1;
	[sflag:s0] =	ssyncset.done @!p0 $0x0  }
0x93: {  	[sflag:s0] =	ssyncadd.s32 @!p0 s1  }
0x94: {  	[bflag:$0x3] =	sbarrier.arrive $0xFFFF  }
0x95: {  	_ =	shalt  }

// kernel: kernel.15.cloned.1.call-start
scs
__scs_entry_jumppad:
0x0: {  	(pc) =	sbr.rel $0x88, $3  }
0x1: {  	(tag) =	ssettag $0x0;
	lr =	simm.s32 $0x1  }
0x2: {  	[smem:$0x3F87] =	sst lr;
	_ =	strace $0xD0000000  }
0x3: {  	_ = 	snop  }
0x4: {  	_ = 	snop  }
0x5: {  	_ = 	snop  }
0x6: {  	_ = 	snop  }
0x7: {  	_ = 	snop  }
__scs_overlays_trampoline_lowered:
0x8: {  	[smem:$0x3F96] =	sst s0  }
0x9: {  	[smem:$0x3F97] =	sst s1  }
0xa: {  	[smem:$0x3F98] =	sst s2  }
0xb: {  	[smem:$0x3F99] =	sst s3  }
0xc: {  	[smem:$0x3F9A] =	sst s4  }
0xd: {  	[smem:$0x3F9B] =	sst s5  }
0xe: {  	[smem:$0x3F9C] =	sst s6  }
0xf: {  	[smem:$0x3F9D] =	sst s7  }
0x10: {  	[smem:$0x3F9E] =	sst s8  }
0x11: {  	[smem:$0x3F9F] =	sst s9;
	s0 =	simm.s32 @!p0 $0x0  }
0x12: {  	s1 =	sld [smem:$0x3F85];
	s0 =	simm.s32 @p0 $0x1  }
0x13: {  	[smem:$0x3FA0] =	sst s0;
	s0 =	simm.s32 @!p1 $0x0  }
0x14: {  	s2 =	sld [smem:$0x3F84];
	s0 =	simm.s32 @p1 $0x1  }
0x15: {  	[smem:$0x3FA1] =	sst s0;
	s0 =	simm.s32 @!p2 $0x0  }
0x16: {  	s3 =	sld [smem:$0x3FDB];
	s0 =	simm.s32 @p2 $0x1  }
0x17: {  	s4 =	simm.s32 $0x1BF5;
	[smem:$0x3FA3] =	sst s0  }
0x18: {  	s0 =	sld [smem:$0x3F86];
	_ =	swait.ge [sflag:s4], $0x0  }
0x19: {  	s7 =	sld [smem:$0x3F87]  }
0x1a: {  	s8 =	sadd.s32 $0xFFFFE003, lr  }
0x1b: {  	s9 =	sadd.s32 $0xFFFFFEF7, lr;
	s5 =	simm.s32 $0xFFFFFFFF;
	p2 =	slt.u32 s8, $0xFFFFF086  }
0x1c: {  	p1 =	slt.u32 s9, $0xF7A;
	s5 =	simm.s32 @!p2 $0x0  }
0x1d: {  	s5 =	simm.s32 @p1 $0x1;
	p0 =	seq.s32 s7, s2  }
0x1e: {  	s7 =	smul.u32 @!p0 $0xF7A, s2;
	p2 =	seq.s32 @!p0 s5, $0x0  }
0x1f: {  	s9 =	smul.u32 $0xF7A, s1;
	s8 =	simm.s32 @!p0 $0x1BF5;
	p2 =	por !p2, p0  }
0x20: {  	[sflag:s8] =	ssyncset.s32 @!p0 $0xFFFFF086;
	s6 =	sadd.s32 @!p0 s3, s7;
	s7 =	simm.s32 @!p0 $0x108  }
0x21: {  	s3 =	sadd.s32 s3, s9;
	s6 =	sadd.s32 @!p0 $0x88, s6;
	s7 =	simm.s32 @p2 $0x1082  }
0x22: {  	[simem:s7], [sflag:s8] =	dma.local @!p0 [hbm:s6], $0xF7A  }
0x23: {  	s9 =	sor.u32 $0xD0000000, s2;
	s6 =	simm.s32 $0x108;
	_ =	swait.ge @!p0 [sflag:s8], $0x0  }
0x24: {  	s3 =	sadd.s32 $0x88, s3;
	s6 =	simm.s32 @!p1 $0x1082;
	[sflag:s4] =	ssyncset.s32 $0xFFFFF086  }
0x25: {  	[simem:s6], [sflag:s4] =	dma.local [hbm:s3], $0xF7A  }
0x26: {  	[smem:$0x3F87] =	sst s1;
	(tag) =	ssettag s2;
	_ =	strace s9  }
0x27: {  	s1 =	sld [smem:$0x3F97]  }
0x28: {  	s2 =	sld [smem:$0x3F98]  }
0x29: {  	s4 =	sld [smem:$0x3F9A]  }
0x2a: {  	p0 =	seq.s32 s5, $0x0;
	s5 =	sld [smem:$0x3F9B]  }
0x2b: {  	s6 =	sld [smem:$0x3F9C]  }
0x2c: {  	s7 =	sld [smem:$0x3F9D]  }
0x2d: {  	s3 =	simm.s32 $0x108;
	s8 =	sld [smem:$0x3F9E]  }
0x2e: {  	s3 =	simm.s32 @!p0 $0x1082;
	s9 =	sld [smem:$0x3F9F]  }
0x2f: {  	lr =	sadd.s32 s0, s3;
	s0 =	sld [smem:$0x3F96]  }
0x30: {  	s3 =	sld [smem:$0x3F99]  }
0x31: {  	[smem:$0x3FA2] =	sst s10  }
0x32: {  	s10 =	sld [smem:$0x3FA0];
	_ =	sdelay $0x3  }
0x33: {  	p0 =	seq.s32 s10, $0x1;
	s10 =	sld [smem:$0x3FA2];
	_ =	sdelay $0x3  }
0x34: {  	[smem:$0x3FA2] =	sst s10  }
0x35: {  	s10 =	sld [smem:$0x3FA1];
	_ =	sdelay $0x3  }
0x36: {  	p1 =	seq.s32 s10, $0x1;
	s10 =	sld [smem:$0x3FA2];
	_ =	sdelay $0x3  }
0x37: {  	[smem:$0x3FA2] =	sst s10  }
0x38: {  	s10 =	sld [smem:$0x3FA3]  }
0x39: {  	_ = 	snop;
	(pc) =	sbr.ind lr, $3  }
0x3a: {  	_ = 	snop  }
0x3b: {  	_ = 	snop  }
0x3c: {  	p2 =	seq.s32 s10, $0x1;
	s10 =	sld [smem:$0x3FA2]  }
0x3d: {  	_ =	shalt  }
0x3e: {  	_ =	shalt  }
0x3f: {  	_ =	shalt  }
0x40: {  	_ =	shalt  }
0x41: {  	_ =	shalt  }
0x42: {  	_ =	shalt  }
0x43: {  	_ =	shalt  }
0x44: {  	_ =	shalt  }
0x45: {  	_ =	shalt  }
0x46: {  	_ =	shalt  }
0x47: {  	_ =	shalt  }
0x48: {  	_ =	shalt  }
0x49: {  	_ =	shalt  }
0x4a: {  	_ =	shalt  }
0x4b: {  	_ =	shalt  }
0x4c: {  	_ =	shalt  }
0x4d: {  	_ =	shalt  }
0x4e: {  	_ =	shalt  }
0x4f: {  	_ =	shalt  }
0x50: {  	_ =	shalt  }
0x51: {  	_ =	shalt  }
0x52: {  	_ =	shalt  }
0x53: {  	_ =	shalt  }
0x54: {  	_ =	shalt  }
0x55: {  	_ =	shalt  }
0x56: {  	_ =	shalt  }
0x57: {  	_ =	shalt  }
0x58: {  	_ =	shalt  }
0x59: {  	_ =	shalt  }
0x5a: {  	_ =	shalt  }
0x5b: {  	_ =	shalt  }
0x5c: {  	_ =	shalt  }
0x5d: {  	_ =	shalt  }
0x5e: {  	_ =	shalt  }
0x5f: {  	_ =	shalt  }
0x60: {  	_ =	shalt  }
0x61: {  	_ =	shalt  }
0x62: {  	_ =	shalt  }
0x63: {  	_ =	shalt  }
0x64: {  	_ =	shalt  }
0x65: {  	_ =	shalt  }
0x66: {  	_ =	shalt  }
0x67: {  	_ =	shalt  }
0x68: {  	_ =	shalt  }
0x69: {  	_ =	shalt  }
0x6a: {  	_ =	shalt  }
0x6b: {  	_ =	shalt  }
0x6c: {  	_ =	shalt  }
0x6d: {  	_ =	shalt  }
0x6e: {  	_ =	shalt  }
0x6f: {  	_ =	shalt  }
0x70: {  	_ =	shalt  }
0x71: {  	_ =	shalt  }
0x72: {  	_ =	shalt  }
0x73: {  	_ =	shalt  }
0x74: {  	_ =	shalt  }
0x75: {  	_ =	shalt  }
0x76: {  	_ =	shalt  }
0x77: {  	_ =	shalt  }
0x78: {  	_ =	shalt  }
0x79: {  	_ =	shalt  }
0x7a: {  	_ =	shalt  }
0x7b: {  	_ =	shalt  }
0x7c: {  	_ =	shalt  }
0x7d: {  	_ =	shalt  }
0x7e: {  	_ =	shalt  }
0x7f: {  	_ =	shalt  }
0x80: {  	_ =	shalt  }
0x81: {  	_ =	shalt  }
0x82: {  	_ =	shalt  }
0x83: {  	_ =	shalt  }
0x84: {  	_ =	shalt  }
0x85: {  	_ =	shalt  }
0x86: {  	_ =	shalt  }
0x87: {  	_ =	shalt  }
.Lfunc_end0:
.L_simem_size_0:
called_computation.2_lowered:
.L_overlay_start_0:
0x88: {  	s2 =	sld [smem:$0x3FD9]  }
0x89: {  	s3 =	sld [smem:$0x3FFE];
	_ =	sdelay $0x1  }
0x8a: {  	s1 =	srdreg.scid  }
0x8b: {  	s0 =	sand.u32 $0x1, s1  }
0x8c: {  	s17 =	sshll.u32 s0, $0xA;
	s2 =	sadd.s32 s3, s2  }
0x8d: {  	s2 =	sadd.s32 s2, s17  }
0x8e: {  	[smem:$0x3FAE] =	sst s2  }
0x8f: {  	_ = 	snop  }
0x90: {  	(tm) =	ssettm $0x1  }
0x91: {  	s18 =	sld [smem:$0x3FFB];
	_ =	sdelay $0x3  }
0x92: {  	_ =	strace s18  }
0x93: {  	s2 =	sld [smem:$0x3FFC];
	_ =	sdelay $0x3  }
0x94: {  	_ =	strace s2  }
0x95: {  	s2 =	sld [smem:$0x3FFD];
	_ =	sdelay $0x3  }
0x96: {  	_ =	strace s2  }
0x97: {  	_ =	strace $0x8FFFFFFF  }
0x98: {  	s19 =	sld [smem:$0x3FDB];
	_ =	sdelay $0x1  }
0x99: {  	s20 =	simm.s32 $_scs_section_size  }
0x9a: {  	s4 =	simm.s32 $_size__tile_overlayer_lowered;
	s5 =	simm.s32 $_tile_overlayer_lowered  }
0x9b: {  	s6 =	simm.s32 $0x1BFF;
	s21 =	sshll.u32 s5, $0x1;
	s3 =	sadd.s32 s20, s19  }
0x9c: {  	s22 =	simm.s32 $0x0;
	s4 =	sshll.u32 s4, $0x1;
	s5 =	sadd.s32 s21, s3  }
0x9d: {  	[timem:s22], [sflag:s6] =	dma.local [hbm:s5], s4  }
0x9e: {  	_ =	swait.ge [sflag:s6], s4  }
0x9f: {  	s4 =	ssub.s32 $0x0, s4;
	[sflag:s6] =	ssyncset.done $0x0  }
0xa0: {  	[sflag:s6] =	ssyncadd.s32 s4;
	_ =	sdelay $0x1  }
0xa1: {  	s23 =	simm.s32 $0x1B8B  }
0xa2: {  	_ =	swait.ge [sflag:s23], $0x1  }
0xa3: {  	[sflag:s23] =	ssyncset.done $0x0  }
0xa4: {  	[sflag:s23] =	ssyncadd.s32 $0xFFFFFFFF  }
0xa5: {  	s4 =	sld [smem:$0x0]  }
0xa6: {  	s5 =	sand.u32 $0xFFFFFFFE, s1  }
0xa7: {  	p0 =	sne.s32 s1, s5  }
0xa8: {  	s5 =	sshll.u32 @p0 s5, $0xE  }
0xa9: {  	s5 =	sadd.s32 @p0 $0x11B8D, s5;
	s6 =	sshll.u32 @p0 s4, $0x11  }
0xaa: {  	s5 =	sor.u32 @p0 s6, s5  }
0xab: {  	[sflag:s5] =	ssyncadd.remote.s32 @p0 $0x1;
	_ =	sdelay $0x1  }
0xac: {  	s5 =	simm.s32 @p0 $0x1B8D  }
0xad: {  	_ =	swait.eq @p0 [sflag:s5], $0x1  }
0xae: {  	[sflag:s5] =	ssyncadd.s32 @p0 $0xFFFFFFFF  }
0xaf: {  	s6 =	sshll.u32 @!p0 s1, $0xE  }
0xb0: {  	s6 =	sor.u32 @!p0 $0x4000, s6;
	s5 =	simm.s32 @!p0 $0x1B8D  }
0xb1: {  	s4 =	sshll.u32 @!p0 s4, $0x11;
	s6 =	sadd.s32 @!p0 $0x11B8D, s6;
	_ =	swait.eq @!p0 [sflag:s5], $0x1  }
0xb2: {  	s4 =	sor.u32 @!p0 s4, s6;
	[sflag:s5] =	ssyncadd.s32 @!p0 $0xFFFFFFFF  }
0xb3: {  	s25 =	simm.s32 $0x1B8E;
	s24 =	sld [smem:$0x3FFE];
	[sflag:s4] =	ssyncadd.remote.s32 @!p0 $0x1  }
0xb4: {  	s26 =	simm.s32 $execute0_lowered;
	[smem:$0x3FD2] =	sst s25  }
0xb5: {  	s5 =	sshll.u32 s26, $0x1;
	_ =	strace $0x8000004C;
	[dreg:$0x1] =	wrdreg $0xFFFFFFFF  }
0xb6: {  	s28 =	simm.s32 $_size_execute0_lowered;
	s3 =	sadd.s32 s3, s5;
	[dreg:$0x0] =	wrdreg $0x0  }
0xb7: {  	s5 =	sshll.u32 s28, $0x1;
	[dreg:$0x2] =	wrdreg s3  }
0xb8: {  	[dreg:$0x3] =	wrdreg s5  }
0xb9: {  	[dreg:$0x4] =	wrdreg $0xC0  }
0xba: {  	_ =	task [dreg:s22], $0x5FFFF  }
0xbb: {  	[dreg:$0x1] =	wrdreg $0xFFFFFFFF  }
0xbc: {  	[dreg:$0x0] =	wrdreg $0x60  }
0xbd: {  	[dreg:$0x2] =	wrdreg s24  }
0xbe: {  	[dreg:$0x3] =	wrdreg $0xB  }
0xbf: {  	_ =	task.clear_ibuf [dreg:s22], $0x4FFFF;
	_ =	strace $0x9000004C  }
0xc0: {  	s29 =	simm.s32 $0xB;
	_ =	strace $0x8000004E  }
0xc1: {  	_ =	swait.ge [sflag:s29], $0x1  }
0xc2: {  	[sflag:s29] =	ssyncadd.s32 $0xFFFFFFFF  }
0xc3: {  	_ =	strace $0x9000004E  }
0xc4: {  	_ =	sfence  }
0xc5: {  	s30 =	sld [smem:$0x0];
	_ =	sdelay $0x2  }
0xc6: {  	s31 =	sshll.u32 s1, $0xD;
	s1 =	sshrl.u32 s1, $0x2  }
0xc7: {  	s4 =	sand.u32 $0x4000, s31;
	s1 =	sadd.s32 s1, s30  }
0xc8: {  	s0 =	sor.u32 s4, s0;
	s1 =	sshll.u32 s1, $0x11  }
0xc9: {  	s0 =	sor.u32 s1, s0  }
0xca: {  	s0 =	sadd.s32 $0x8F2B, s0  }
0xcb: {  	[sflag:s0] =	ssyncadd.remote.s32 $0x1  }
0xcc: {  	_ =	sfence.sel $0xFFFF  }
0xcd: {  	[dreg:$0x0] =	wrdreg $0xFFFFFFFF;
	(pc) =	sbr.abs _section_cstart, $3  }
0xce: {  	[dreg:$0x1] =	wrdreg $0xFFFFFFFF  }
0xcf: {  	_ =	task.clear_ibuf [dreg:s22], $0x2FFFF;
	_ =	strace $0x9FFFFFFF  }
0xd0: {  	(tm) =	ssettm $0x7FFFFFFF  }
0xd1: {  	_ =	shalt  }
tec
execute0_lowered:
.L_overlay_start_1:
0x0: {  	(tag) =	ssettag $0x1  }
0x1: {  	s1 =	srdreg.scid  }
0x2: {  	s0 =	stileid.u32;
	s24 =	sand.u32 $0x1, s1  }
0x3: {  	s30 =	sshll.u32 s0, $0xA;
	s2 =	sshll.u32 s24, $0x9  }
0x4: {  	s22 =	rddreg [dreg:$0x0];
	s8 =	sor.u32 s2, s30  }
0x5: {  	s1 =	rddreg [dreg:$0x1];
	s2 =	simm.s32 $0x0;
	s3 =	sshrl.u32 s8, $0x3  }
0x6: {  	[smem:$0x7FF] =	sst s2;
	s25 =	sadd.s32 s3, s22  }
0x7: {  	_ =	strace $0x8000004D;
	s3 =	simm.s32 $0x3;
	s4 =	sadd.s32 $0x5C00, s25  }
0x8: {  	[tilespmem:s2], [sflag:$0x3] =	stream.linear.gather [hbm4b:s4+s2], $0x200, $0x38;
	[tilespmem:$0x2400] =	vst v63  }
0x9: {  	_ =	swait.ge [sflag:s3], $0x200  }
0xa: {  	s7 =	simm.s32 $0x200;
	[sflag:s3] =	ssyncset.done $0x0  }
0xb: {  	s9 =	simm.s32 $0x1;
	s6 =	sadd.s32 $0x1DB400, s22;
	[sflag:s3] =	ssyncadd.s32 $0xFFFFFE00  }
0xc: {  	[tilespmem:s7], [sflag:$0x1] =	stream.indirect.gather [hbm4b:s6+s7], $0x10, s2, s7, $0xb8;
	[tilespmem:$0x2400] =	vst v63  }
0xd: {  	s5 =	sadd.s32 $0x173000, s22;
	s10 =	smul.u32 $0x6, s8;
	s8 =	simm.s32 $0x2200  }
0xe: {  	[tilespmem:s8], [sflag:$0x2] =	stream.indirect.gather [hbm4b:s5+s7], $0x1, s2, s7, $0xb8;
	[tilespmem:$0x2400] =	vst v63  }
0xf: {  	_ =	swait.ge [sflag:s9], $0x2000  }
0x10: {  	s11 =	simm.s32 $0x10;
	s23 =	sadd.s32 s10, s22;
	[sflag:s9] =	ssyncset.done $0x0  }
0x11: {  	s12 =	simm.s32 $0x30;
	s10 =	sadd.s32 $0x20F600, s23;
	[sflag:s9] =	ssyncadd.s32 $0xFFFFE000  }
0x12: {  	[hbm4b:s10+s11] =	stream.strided.scatter [tilespmem:s7], [sflag:$0x3], $0x2000, s12, s11, $0x38;
	[tilespmem:$0x2400] =	vst v63  }
0x13: {  	_ =	swait.ge [sflag:s3], $0x2000  }
0x14: {  	[sflag:s3] =	ssyncset.done $0x0  }
0x15: {  	s13 =	simm.s32 $0x2;
	[sflag:s3] =	ssyncadd.s32 $0xFFFFE000  }
0x16: {  	_ =	swait.ge [sflag:s13], $0x200  }
0x17: {  	[sflag:s13] =	ssyncset.done $0x0  }
0x18: {  	s14 =	sadd.s32 $0x227600, s25;
	[sflag:s13] =	ssyncadd.s32 $0xFFFFFE00  }
0x19: {  	[hbm4b:s14+s2] =	stream.linear.scatter [tilespmem:s8], [sflag:$0x3], $0x200, $0x38;
	[tilespmem:$0x2400] =	vst v63  }
0x1a: {  	_ =	swait.ge [sflag:s3], $0x200  }
0x1b: {  	[sflag:s3] =	ssyncset.done $0x0  }
0x1c: {  	s15 =	sadd.s32 $0x6400, s25;
	[sflag:s3] =	ssyncadd.s32 $0xFFFFFE00  }
0x1d: {  	[tilespmem:s2], [sflag:$0x3] =	stream.linear.gather [hbm4b:s15+s2], $0x200, $0x38;
	[tilespmem:$0x2400] =	vst v63  }
0x1e: {  	_ =	swait.ge [sflag:s3], $0x200  }
0x1f: {  	[sflag:s3] =	ssyncset.done $0x0  }
0x20: {  	s16 =	sadd.s32 $0x179400, s22;
	[sflag:s3] =	ssyncadd.s32 $0xFFFFFE00  }
0x21: {  	[tilespmem:s7], [sflag:$0x1] =	stream.indirect.gather [hbm4b:s16+s7], $0x10, s2, s7, $0xb8;
	[tilespmem:$0x2400] =	vst v63  }
0x22: {  	s17 =	sadd.s32 $0x20C400, s22  }
0x23: {  	[tilespmem:s8], [sflag:$0x2] =	stream.indirect.gather [hbm4b:s17+s7], $0x1, s2, s7, $0xb8;
	[tilespmem:$0x2400] =	vst v63  }
0x24: {  	_ =	swait.ge [sflag:s9], $0x2000  }
0x25: {  	[sflag:s9] =	ssyncset.done $0x0  }
0x26: {  	s18 =	sadd.s32 $0x20F602, s23;
	[sflag:s9] =	ssyncadd.s32 $0xFFFFE000  }
0x27: {  	[hbm4b:s18+s11] =	stream.strided.scatter [tilespmem:s7], [sflag:$0x3], $0x2000, s12, s11, $0x38;
	[tilespmem:$0x2400] =	vst v63  }
0x28: {  	_ =	swait.ge [sflag:s3], $0x2000  }
0x29: {  	[sflag:s3] =	ssyncset.done $0x0  }
0x2a: {  	[sflag:s3] =	ssyncadd.s32 $0xFFFFE000  }
0x2b: {  	_ =	swait.ge [sflag:s13], $0x200  }
0x2c: {  	[sflag:s13] =	ssyncset.done $0x0  }
0x2d: {  	s19 =	sadd.s32 $0x227E00, s25;
	[sflag:s13] =	ssyncadd.s32 $0xFFFFFE00  }
0x2e: {  	[hbm4b:s19+s2] =	stream.linear.scatter [tilespmem:s8], [sflag:$0x3], $0x200, $0x38;
	[tilespmem:$0x2400] =	vst v63  }
0x2f: {  	_ =	swait.ge [sflag:s3], $0x200  }
0x30: {  	[sflag:s3] =	ssyncset.done $0x0  }
0x31: {  	s20 =	sadd.s32 $0x6C00, s25;
	[sflag:s3] =	ssyncadd.s32 $0xFFFFFE00  }
0x32: {  	[tilespmem:s2], [sflag:$0x3] =	stream.linear.gather [hbm4b:s20+s2], $0x200, $0x38;
	[tilespmem:$0x2400] =	vst v63  }
0x33: {  	_ =	swait.ge [sflag:s3], $0x200  }
0x34: {  	[sflag:s3] =	ssyncset.done $0x0  }
0x35: {  	s21 =	sadd.s32 $0x1AA400, s22;
	[sflag:s3] =	ssyncadd.s32 $0xFFFFFE00  }
0x36: {  	[tilespmem:s7], [sflag:$0x1] =	stream.indirect.gather [hbm4b:s21+s7], $0x10, s2, s7, $0xb8;
	[tilespmem:$0x2400] =	vst v63  }
0x37: {  	s22 =	sadd.s32 $0x176200, s22  }
0x38: {  	[tilespmem:s8], [sflag:$0x2] =	stream.indirect.gather [hbm4b:s22+s7], $0x1, s2, s7, $0xb8;
	[tilespmem:$0x2400] =	vst v63  }
0x39: {  	_ =	swait.ge [sflag:s9], $0x2000  }
0x3a: {  	[sflag:s9] =	ssyncset.done $0x0  }
0x3b: {  	s24 =	ssub.s32 $0x2, s24;
	s23 =	sadd.s32 $0x20F604, s23;
	[sflag:s9] =	ssyncadd.s32 $0xFFFFE000  }
0x3c: {  	[hbm4b:s23+s11] =	stream.strided.scatter [tilespmem:s7], [sflag:$0x3], $0x2000, s12, s11, $0x38;
	[tilespmem:$0x2400] =	vst v63  }
0x3d: {  	s26 =	sshrl.u32 s24, $0x1;
	_ =	swait.ge [sflag:s3], $0x2000  }
0x3e: {  	s26 =	ssub.s32 s24, s26;
	[sflag:s3] =	ssyncset.done $0x0  }
0x3f: {  	s31 =	smax.u32 s26, $0x1;
	[sflag:s3] =	ssyncadd.s32 $0xFFFFE000  }
0x40: {  	p0 =	sne.s32 s31, $0x1;
	_ =	swait.ge [sflag:s13], $0x200  }
.Ltmp0:
0x41: {  	[sflag:s13] =	ssyncset.done $0x0;
	(pc) =	sbr.rel @!p0 .LBB2_2-.Ltmp0, $4  }
0x42: {  	s24 =	sadd.s32 $0x228600, s25;
	[sflag:s13] =	ssyncadd.s32 $0xFFFFFE00  }
0x43: {  	[hbm4b:s24+s2] =	stream.linear.scatter [tilespmem:s8], [sflag:$0x3], $0x200, $0x38;
	[tilespmem:$0x2400] =	vst v63  }
0x44: {  	_ =	swait.ge [sflag:s3], $0x200  }
0x45: {  	s25 =	sadd.s32 $0xFFFFFFFF, s31;
	[sflag:s3] =	ssyncset.done $0x0  }
.LBB2_1:
0x46: {  	p0 =	sne.s32 s25, $0x1;
	s25 =	sadd.s32 $0xFFFFFFFF, s25;
	[sflag:s3] =	ssyncadd.s32 $0xFFFFFE00  }
0x47: {  	[tilespmem:s2], [sflag:$0x3] =	stream.linear.gather [hbm4b:s4+s2], $0x200, $0x38;
	[tilespmem:$0x2400] =	vst v63  }
0x48: {  	_ =	swait.ge [sflag:s3], $0x200  }
0x49: {  	[sflag:s3] =	ssyncset.done $0x0  }
0x4a: {  	[sflag:s3] =	ssyncadd.s32 $0xFFFFFE00  }
0x4b: {  	[tilespmem:s7], [sflag:$0x1] =	stream.indirect.gather [hbm4b:s6+s7], $0x10, s2, s7, $0xb8;
	[tilespmem:$0x2400] =	vst v63  }
0x4c: {  	_ = 	snop  }
0x4d: {  	[tilespmem:s8], [sflag:$0x2] =	stream.indirect.gather [hbm4b:s5+s7], $0x1, s2, s7, $0xb8;
	[tilespmem:$0x2400] =	vst v63  }
0x4e: {  	_ =	swait.ge [sflag:s9], $0x2000  }
0x4f: {  	[sflag:s9] =	ssyncset.done $0x0  }
0x50: {  	[sflag:s9] =	ssyncadd.s32 $0xFFFFE000  }
0x51: {  	[hbm4b:s10+s11] =	stream.strided.scatter [tilespmem:s7], [sflag:$0x3], $0x2000, s12, s11, $0x38;
	[tilespmem:$0x2400] =	vst v63  }
0x52: {  	_ =	swait.ge [sflag:s3], $0x2000  }
0x53: {  	[sflag:s3] =	ssyncset.done $0x0  }
0x54: {  	[sflag:s3] =	ssyncadd.s32 $0xFFFFE000  }
0x55: {  	_ =	swait.ge [sflag:s13], $0x200  }
0x56: {  	[sflag:s13] =	ssyncset.done $0x0  }
0x57: {  	[sflag:s13] =	ssyncadd.s32 $0xFFFFFE00  }
0x58: {  	[hbm4b:s14+s2] =	stream.linear.scatter [tilespmem:s8], [sflag:$0x3], $0x200, $0x38;
	[tilespmem:$0x2400] =	vst v63  }
0x59: {  	_ =	swait.ge [sflag:s3], $0x200  }
0x5a: {  	[sflag:s3] =	ssyncset.done $0x0  }
0x5b: {  	[sflag:s3] =	ssyncadd.s32 $0xFFFFFE00  }
0x5c: {  	[tilespmem:s2], [sflag:$0x3] =	stream.linear.gather [hbm4b:s15+s2], $0x200, $0x38;
	[tilespmem:$0x2400] =	vst v63  }
0x5d: {  	_ =	swait.ge [sflag:s3], $0x200  }
0x5e: {  	[sflag:s3] =	ssyncset.done $0x0  }
0x5f: {  	[sflag:s3] =	ssyncadd.s32 $0xFFFFFE00  }
0x60: {  	[tilespmem:s7], [sflag:$0x1] =	stream.indirect.gather [hbm4b:s16+s7], $0x10, s2, s7, $0xb8;
	[tilespmem:$0x2400] =	vst v63  }
0x61: {  	_ = 	snop  }
0x62: {  	[tilespmem:s8], [sflag:$0x2] =	stream.indirect.gather [hbm4b:s17+s7], $0x1, s2, s7, $0xb8;
	[tilespmem:$0x2400] =	vst v63  }
0x63: {  	_ =	swait.ge [sflag:s9], $0x2000  }
0x64: {  	[sflag:s9] =	ssyncset.done $0x0  }
0x65: {  	[sflag:s9] =	ssyncadd.s32 $0xFFFFE000  }
0x66: {  	[hbm4b:s18+s11] =	stream.strided.scatter [tilespmem:s7], [sflag:$0x3], $0x2000, s12, s11, $0x38;
	[tilespmem:$0x2400] =	vst v63  }
0x67: {  	_ =	swait.ge [sflag:s3], $0x2000  }
0x68: {  	[sflag:s3] =	ssyncset.done $0x0  }
0x69: {  	[sflag:s3] =	ssyncadd.s32 $0xFFFFE000  }
0x6a: {  	_ =	swait.ge [sflag:s13], $0x200  }
0x6b: {  	[sflag:s13] =	ssyncset.done $0x0  }
0x6c: {  	[sflag:s13] =	ssyncadd.s32 $0xFFFFFE00  }
0x6d: {  	[hbm4b:s19+s2] =	stream.linear.scatter [tilespmem:s8], [sflag:$0x3], $0x200, $0x38;
	[tilespmem:$0x2400] =	vst v63  }
0x6e: {  	_ =	swait.ge [sflag:s3], $0x200  }
0x6f: {  	[sflag:s3] =	ssyncset.done $0x0  }
0x70: {  	[sflag:s3] =	ssyncadd.s32 $0xFFFFFE00  }
0x71: {  	[tilespmem:s2], [sflag:$0x3] =	stream.linear.gather [hbm4b:s20+s2], $0x200, $0x38;
	[tilespmem:$0x2400] =	vst v63  }
0x72: {  	_ =	swait.ge [sflag:s3], $0x200  }
0x73: {  	[sflag:s3] =	ssyncset.done $0x0  }
0x74: {  	[sflag:s3] =	ssyncadd.s32 $0xFFFFFE00  }
0x75: {  	[tilespmem:s7], [sflag:$0x1] =	stream.indirect.gather [hbm4b:s21+s7], $0x10, s2, s7, $0xb8;
	[tilespmem:$0x2400] =	vst v63  }
0x76: {  	_ = 	snop  }
0x77: {  	[tilespmem:s8], [sflag:$0x2] =	stream.indirect.gather [hbm4b:s22+s7], $0x1, s2, s7, $0xb8;
	[tilespmem:$0x2400] =	vst v63  }
0x78: {  	_ =	swait.ge [sflag:s9], $0x2000  }
0x79: {  	[sflag:s9] =	ssyncset.done $0x0  }
0x7a: {  	[sflag:s9] =	ssyncadd.s32 $0xFFFFE000  }
0x7b: {  	[hbm4b:s23+s11] =	stream.strided.scatter [tilespmem:s7], [sflag:$0x3], $0x2000, s12, s11, $0x38;
	[tilespmem:$0x2400] =	vst v63  }
0x7c: {  	_ =	swait.ge [sflag:s3], $0x2000  }
0x7d: {  	[sflag:s3] =	ssyncset.done $0x0  }
0x7e: {  	[sflag:s3] =	ssyncadd.s32 $0xFFFFE000  }
0x7f: {  	_ =	swait.ge [sflag:s13], $0x200  }
.Ltmp1:
0x80: {  	[sflag:s13] =	ssyncset.done $0x0;
	(pc) =	sbr.rel @p0 .LBB2_1-.Ltmp1, $4  }
0x81: {  	[sflag:s13] =	ssyncadd.s32 $0xFFFFFE00  }
0x82: {  	[hbm4b:s24+s2] =	stream.linear.scatter [tilespmem:s8], [sflag:$0x3], $0x200, $0x38;
	[tilespmem:$0x2400] =	vst v63  }
0x83: {  	_ =	swait.ge [sflag:s3], $0x200  }
0x84: {  	[sflag:s3] =	ssyncset.done $0x0  }
.LBB2_2:
0x85: {  	[sflag:s3] =	ssyncadd.s32 $0xFFFFFE00  }
0x86: {  	_ =	sfence.sel $0x180000  }
0x87: {  	[bflag:$0x0] =	sbarrier.arrive $0xFFFF  }
0x88: {  	p0 =	sne.s32 s0, $0x0;
	_ =	strace $0x9000004D  }
0x89: {  	s0 =	sadd.s32 @!p0 $0x100000, s1;
	[bflag:$0x2] =	sbarrier.arrive $0xFFFF  }
0x8a: {  	[sflag:s0] =	ssyncadd.tile.s32 @!p0 $0x1;
	_ =	shalt  }
.Lfunc_end2:
_tile_overlayer_lowered:
.L_overlay_start_2:
0x8b: {  	(tag) =	ssettag $0x2  }
0x8c: {  	s0 =	rddreg [dreg:$0x0];
	s2 =	stileid.u32  }
0x8d: {  	s1 =	rddreg [dreg:$0x1];
	p0 =	sne.s32 s2, $0x0  }
0x8e: {  	s3 =	rddreg [dreg:$0x2];
	[bflag:$0x3] =	sbarrier.arrive $0xFFFF;
	s2 =	simm.s32 @!p0 $0x1C03  }
0x8f: {  	[timem:s3], [sflag:s2] =	dma.local @!p0 [hbm:s0], s1  }
0x90: {  	s0 =	simm.s32 @!p0 $0x3  }
0x91: {  	_ =	swait.ge @!p0 [sflag:s0], s1  }
0x92: {  	s1 =	ssub.s32 @!p0 $0x0, s1;
	[sflag:s0] =	ssyncset.done @!p0 $0x0  }
0x93: {  	[sflag:s0] =	ssyncadd.s32 @!p0 s1  }
0x94: {  	[bflag:$0x3] =	sbarrier.arrive $0xFFFF  }
0x95: {  	_ =	shalt  }

// kernel: kernel.9.cloned.1.call-start
scs
__scs_entry_jumppad:
0x0: {  	(pc) =	sbr.rel $0x88, $3  }
0x1: {  	(tag) =	ssettag $0x0;
	lr =	simm.s32 $0x1  }
0x2: {  	[smem:$0x3F87] =	sst lr;
	_ =	strace $0xD0000000  }
0x3: {  	_ = 	snop  }
0x4: {  	_ = 	snop  }
0x5: {  	_ = 	snop  }
0x6: {  	_ = 	snop  }
0x7: {  	_ = 	snop  }
__scs_overlays_trampoline_lowered:
0x8: {  	[smem:$0x3F96] =	sst s0  }
0x9: {  	[smem:$0x3F97] =	sst s1  }
0xa: {  	[smem:$0x3F98] =	sst s2  }
0xb: {  	[smem:$0x3F99] =	sst s3  }
0xc: {  	[smem:$0x3F9A] =	sst s4  }
0xd: {  	[smem:$0x3F9B] =	sst s5  }
0xe: {  	[smem:$0x3F9C] =	sst s6  }
0xf: {  	[smem:$0x3F9D] =	sst s7  }
0x10: {  	[smem:$0x3F9E] =	sst s8  }
0x11: {  	[smem:$0x3F9F] =	sst s9;
	s0 =	simm.s32 @!p0 $0x0  }
0x12: {  	s1 =	sld [smem:$0x3F85];
	s0 =	simm.s32 @p0 $0x1  }
0x13: {  	[smem:$0x3FA0] =	sst s0;
	s0 =	simm.s32 @!p1 $0x0  }
0x14: {  	s2 =	sld [smem:$0x3F84];
	s0 =	simm.s32 @p1 $0x1  }
0x15: {  	[smem:$0x3FA1] =	sst s0;
	s0 =	simm.s32 @!p2 $0x0  }
0x16: {  	s3 =	sld [smem:$0x3FDB];
	s0 =	simm.s32 @p2 $0x1  }
0x17: {  	s4 =	simm.s32 $0x1BF5;
	[smem:$0x3FA3] =	sst s0  }
0x18: {  	s0 =	sld [smem:$0x3F86];
	_ =	swait.ge [sflag:s4], $0x0  }
0x19: {  	s7 =	sld [smem:$0x3F87]  }
0x1a: {  	s8 =	sadd.s32 $0xFFFFE003, lr  }
0x1b: {  	s9 =	sadd.s32 $0xFFFFFEF7, lr;
	s5 =	simm.s32 $0xFFFFFFFF;
	p2 =	slt.u32 s8, $0xFFFFF086  }
0x1c: {  	p1 =	slt.u32 s9, $0xF7A;
	s5 =	simm.s32 @!p2 $0x0  }
0x1d: {  	s5 =	simm.s32 @p1 $0x1;
	p0 =	seq.s32 s7, s2  }
0x1e: {  	s7 =	smul.u32 @!p0 $0xF7A, s2;
	p2 =	seq.s32 @!p0 s5, $0x0  }
0x1f: {  	s9 =	smul.u32 $0xF7A, s1;
	s8 =	simm.s32 @!p0 $0x1BF5;
	p2 =	por !p2, p0  }
0x20: {  	[sflag:s8] =	ssyncset.s32 @!p0 $0xFFFFF086;
	s6 =	sadd.s32 @!p0 s3, s7;
	s7 =	simm.s32 @!p0 $0x108  }
0x21: {  	s3 =	sadd.s32 s3, s9;
	s6 =	sadd.s32 @!p0 $0x88, s6;
	s7 =	simm.s32 @p2 $0x1082  }
0x22: {  	[simem:s7], [sflag:s8] =	dma.local @!p0 [hbm:s6], $0xF7A  }
0x23: {  	s9 =	sor.u32 $0xD0000000, s2;
	s6 =	simm.s32 $0x108;
	_ =	swait.ge @!p0 [sflag:s8], $0x0  }
0x24: {  	s3 =	sadd.s32 $0x88, s3;
	s6 =	simm.s32 @!p1 $0x1082;
	[sflag:s4] =	ssyncset.s32 $0xFFFFF086  }
0x25: {  	[simem:s6], [sflag:s4] =	dma.local [hbm:s3], $0xF7A  }
0x26: {  	[smem:$0x3F87] =	sst s1;
	(tag) =	ssettag s2;
	_ =	strace s9  }
0x27: {  	s1 =	sld [smem:$0x3F97]  }
0x28: {  	s2 =	sld [smem:$0x3F98]  }
0x29: {  	s4 =	sld [smem:$0x3F9A]  }
0x2a: {  	p0 =	seq.s32 s5, $0x0;
	s5 =	sld [smem:$0x3F9B]  }
0x2b: {  	s6 =	sld [smem:$0x3F9C]  }
0x2c: {  	s7 =	sld [smem:$0x3F9D]  }
0x2d: {  	s3 =	simm.s32 $0x108;
	s8 =	sld [smem:$0x3F9E]  }
0x2e: {  	s3 =	simm.s32 @!p0 $0x1082;
	s9 =	sld [smem:$0x3F9F]  }
0x2f: {  	lr =	sadd.s32 s0, s3;
	s0 =	sld [smem:$0x3F96]  }
0x30: {  	s3 =	sld [smem:$0x3F99]  }
0x31: {  	[smem:$0x3FA2] =	sst s10  }
0x32: {  	s10 =	sld [smem:$0x3FA0];
	_ =	sdelay $0x3  }
0x33: {  	p0 =	seq.s32 s10, $0x1;
	s10 =	sld [smem:$0x3FA2];
	_ =	sdelay $0x3  }
0x34: {  	[smem:$0x3FA2] =	sst s10  }
0x35: {  	s10 =	sld [smem:$0x3FA1];
	_ =	sdelay $0x3  }
0x36: {  	p1 =	seq.s32 s10, $0x1;
	s10 =	sld [smem:$0x3FA2];
	_ =	sdelay $0x3  }
0x37: {  	[smem:$0x3FA2] =	sst s10  }
0x38: {  	s10 =	sld [smem:$0x3FA3]  }
0x39: {  	_ = 	snop;
	(pc) =	sbr.ind lr, $3  }
0x3a: {  	_ = 	snop  }
0x3b: {  	_ = 	snop  }
0x3c: {  	p2 =	seq.s32 s10, $0x1;
	s10 =	sld [smem:$0x3FA2]  }
0x3d: {  	_ =	shalt  }
0x3e: {  	_ =	shalt  }
0x3f: {  	_ =	shalt  }
0x40: {  	_ =	shalt  }
0x41: {  	_ =	shalt  }
0x42: {  	_ =	shalt  }
0x43: {  	_ =	shalt  }
0x44: {  	_ =	shalt  }
0x45: {  	_ =	shalt  }
0x46: {  	_ =	shalt  }
0x47: {  	_ =	shalt  }
0x48: {  	_ =	shalt  }
0x49: {  	_ =	shalt  }
0x4a: {  	_ =	shalt  }
0x4b: {  	_ =	shalt  }
0x4c: {  	_ =	shalt  }
0x4d: {  	_ =	shalt  }
0x4e: {  	_ =	shalt  }
0x4f: {  	_ =	shalt  }
0x50: {  	_ =	shalt  }
0x51: {  	_ =	shalt  }
0x52: {  	_ =	shalt  }
0x53: {  	_ =	shalt  }
0x54: {  	_ =	shalt  }
0x55: {  	_ =	shalt  }
0x56: {  	_ =	shalt  }
0x57: {  	_ =	shalt  }
0x58: {  	_ =	shalt  }
0x59: {  	_ =	shalt  }
0x5a: {  	_ =	shalt  }
0x5b: {  	_ =	shalt  }
0x5c: {  	_ =	shalt  }
0x5d: {  	_ =	shalt  }
0x5e: {  	_ =	shalt  }
0x5f: {  	_ =	shalt  }
0x60: {  	_ =	shalt  }
0x61: {  	_ =	shalt  }
0x62: {  	_ =	shalt  }
0x63: {  	_ =	shalt  }
0x64: {  	_ =	shalt  }
0x65: {  	_ =	shalt  }
0x66: {  	_ =	shalt  }
0x67: {  	_ =	shalt  }
0x68: {  	_ =	shalt  }
0x69: {  	_ =	shalt  }
0x6a: {  	_ =	shalt  }
0x6b: {  	_ =	shalt  }
0x6c: {  	_ =	shalt  }
0x6d: {  	_ =	shalt  }
0x6e: {  	_ =	shalt  }
0x6f: {  	_ =	shalt  }
0x70: {  	_ =	shalt  }
0x71: {  	_ =	shalt  }
0x72: {  	_ =	shalt  }
0x73: {  	_ =	shalt  }
0x74: {  	_ =	shalt  }
0x75: {  	_ =	shalt  }
0x76: {  	_ =	shalt  }
0x77: {  	_ =	shalt  }
0x78: {  	_ =	shalt  }
0x79: {  	_ =	shalt  }
0x7a: {  	_ =	shalt  }
0x7b: {  	_ =	shalt  }
0x7c: {  	_ =	shalt  }
0x7d: {  	_ =	shalt  }
0x7e: {  	_ =	shalt  }
0x7f: {  	_ =	shalt  }
0x80: {  	_ =	shalt  }
0x81: {  	_ =	shalt  }
0x82: {  	_ =	shalt  }
0x83: {  	_ =	shalt  }
0x84: {  	_ =	shalt  }
0x85: {  	_ =	shalt  }
0x86: {  	_ =	shalt  }
0x87: {  	_ =	shalt  }
.Lfunc_end0:
.L_simem_size_0:
called_computation_lowered:
.L_overlay_start_0:
0x88: {  	s2 =	sld [smem:$0x3FD9]  }
0x89: {  	s3 =	sld [smem:$0x3FFE];
	_ =	sdelay $0x1  }
0x8a: {  	s1 =	srdreg.scid  }
0x8b: {  	s0 =	sand.u32 $0x1, s1  }
0x8c: {  	s16 =	sshll.u32 s0, $0xA;
	s2 =	sadd.s32 s3, s2  }
0x8d: {  	s2 =	sadd.s32 s2, s16  }
0x8e: {  	[smem:$0x3FAE] =	sst s2  }
0x8f: {  	_ = 	snop  }
0x90: {  	(tm) =	ssettm $0x1  }
0x91: {  	s17 =	sld [smem:$0x3FFB];
	_ =	sdelay $0x3  }
0x92: {  	_ =	strace s17  }
0x93: {  	s2 =	sld [smem:$0x3FFC];
	_ =	sdelay $0x3  }
0x94: {  	_ =	strace s2  }
0x95: {  	s2 =	sld [smem:$0x3FFD];
	_ =	sdelay $0x3  }
0x96: {  	_ =	strace s2  }
0x97: {  	_ =	strace $0x8FFFFFFF  }
0x98: {  	s18 =	sld [smem:$0x3FDB];
	_ =	sdelay $0x1  }
0x99: {  	s19 =	simm.s32 $_scs_section_size  }
0x9a: {  	s4 =	simm.s32 $_size__tile_overlayer_lowered;
	s5 =	simm.s32 $_tile_overlayer_lowered  }
0x9b: {  	s22 =	simm.s32 $0x1BFF;
	s21 =	sshll.u32 s5, $0x1;
	s2 =	sadd.s32 s19, s18  }
0x9c: {  	s6 =	simm.s32 $0x0;
	s20 =	sshll.u32 s4, $0x1;
	s4 =	sadd.s32 s21, s2  }
0x9d: {  	[timem:s6], [sflag:s22] =	dma.local [hbm:s4], s20  }
0x9e: {  	_ =	swait.ge [sflag:s22], s20  }
0x9f: {  	s3 =	ssub.s32 $0x0, s20;
	[sflag:s22] =	ssyncset.done $0x0  }
0xa0: {  	[sflag:s22] =	ssyncadd.s32 s3;
	_ =	sdelay $0x1  }
0xa1: {  	s23 =	simm.s32 $0x1B8B  }
0xa2: {  	_ =	swait.ge [sflag:s23], $0x1  }
0xa3: {  	[sflag:s23] =	ssyncset.done $0x0  }
0xa4: {  	s25 =	simm.s32 $0x1B8E;
	s24 =	sld [smem:$0x3FFE];
	[sflag:s23] =	ssyncadd.s32 $0xFFFFFFFF  }
0xa5: {  	s26 =	simm.s32 $execute0_lowered;
	[smem:$0x3FD2] =	sst s25  }
0xa6: {  	s4 =	sshll.u32 s26, $0x1;
	_ =	strace $0x80000046;
	[dreg:$0x1] =	wrdreg $0xFFFFFFFF  }
0xa7: {  	s28 =	simm.s32 $_size_execute0_lowered;
	s2 =	sadd.s32 s2, s4;
	[dreg:$0x0] =	wrdreg $0x0  }
0xa8: {  	s4 =	sshll.u32 s28, $0x1;
	[dreg:$0x2] =	wrdreg s2  }
0xa9: {  	[dreg:$0x3] =	wrdreg s4  }
0xaa: {  	[dreg:$0x4] =	wrdreg $0xC0  }
0xab: {  	_ =	task [dreg:s6], $0x5FFFF  }
0xac: {  	[dreg:$0x1] =	wrdreg $0xFFFFFFFF  }
0xad: {  	[dreg:$0x0] =	wrdreg $0x60  }
0xae: {  	[dreg:$0x2] =	wrdreg s24  }
0xaf: {  	[dreg:$0x3] =	wrdreg $0x9  }
0xb0: {  	_ =	task.clear_ibuf [dreg:s6], $0x4FFFF;
	_ =	strace $0x90000046  }
0xb1: {  	s29 =	simm.s32 $0x9;
	_ =	strace $0x80000048  }
0xb2: {  	_ =	swait.ge [sflag:s29], $0x1  }
0xb3: {  	[sflag:s29] =	ssyncadd.s32 $0xFFFFFFFF  }
0xb4: {  	_ =	strace $0x90000048  }
0xb5: {  	_ =	sfence  }
0xb6: {  	s30 =	sld [smem:$0x0];
	_ =	sdelay $0x2  }
0xb7: {  	s31 =	sshll.u32 s1, $0xD;
	s1 =	sshrl.u32 s1, $0x2  }
0xb8: {  	s3 =	sand.u32 $0x4000, s31;
	s1 =	sadd.s32 s1, s30  }
0xb9: {  	s0 =	sor.u32 s3, s0;
	s1 =	sshll.u32 s1, $0x11  }
0xba: {  	s0 =	sor.u32 s1, s0  }
0xbb: {  	s0 =	sadd.s32 $0x8F2B, s0  }
0xbc: {  	[sflag:s0] =	ssyncadd.remote.s32 $0x1  }
0xbd: {  	_ =	sfence.sel $0xFFFF  }
0xbe: {  	[dreg:$0x0] =	wrdreg $0xFFFFFFFF;
	(pc) =	sbr.abs _section_cstart, $3  }
0xbf: {  	[dreg:$0x1] =	wrdreg $0xFFFFFFFF  }
0xc0: {  	_ =	task.clear_ibuf [dreg:s6], $0x2FFFF;
	_ =	strace $0x9FFFFFFF  }
0xc1: {  	(tm) =	ssettm $0x7FFFFFFF  }
tec
execute0_lowered:
.L_overlay_start_1:
0x0: {  	(tag) =	ssettag $0x1  }
0x1: {  	s1 =	srdreg.scid  }
0x2: {  	s0 =	stileid.u32;
	s24 =	sand.u32 $0x1, s1  }
0x3: {  	s22 =	rddreg [dreg:$0x0];
	s3 =	sshll.u32 s0, $0xA;
	s4 =	sshll.u32 s24, $0x9  }
0x4: {  	s2 =	simm.s32 $0x0;
	s1 =	rddreg [dreg:$0x1];
	s8 =	sor.u32 s4, s3  }
0x5: {  	[smem:$0x7FF] =	sst s2;
	s20 =	sadd.s32 $0x2C00, s22;
	s21 =	sshrl.u32 s8, $0x3  }
0x6: {  	_ =	strace $0x80000047;
	s3 =	simm.s32 $0x3;
	s4 =	sadd.s32 s20, s21  }
0x7: {  	[tilespmem:s2], [sflag:$0x3] =	stream.linear.gather [hbm4b:s4+s2], $0x200, $0x38;
	[tilespmem:$0x2400] =	vst v63  }
0x8: {  	_ =	swait.ge [sflag:s3], $0x200  }
0x9: {  	s7 =	simm.s32 $0x200;
	[sflag:s3] =	ssyncset.done $0x0  }
0xa: {  	s9 =	simm.s32 $0x1;
	s6 =	sadd.s32 $0x72A00, s22;
	[sflag:s3] =	ssyncadd.s32 $0xFFFFFE00  }
0xb: {  	[tilespmem:s7], [sflag:$0x1] =	stream.indirect.gather [hbm4b:s6+s7], $0x10, s2, s7, $0xb8;
	[tilespmem:$0x2400] =	vst v63  }
0xc: {  	s5 =	sadd.s32 $0x7400, s22;
	s10 =	smul.u32 $0x6, s8;
	s8 =	simm.s32 $0x2200  }
0xd: {  	[tilespmem:s8], [sflag:$0x2] =	stream.indirect.gather [hbm4b:s5+s7], $0x1, s2, s7, $0xb8;
	[tilespmem:$0x2400] =	vst v63  }
0xe: {  	_ =	swait.ge [sflag:s9], $0x2000  }
0xf: {  	s11 =	simm.s32 $0x10;
	s23 =	sadd.s32 s10, s22;
	[sflag:s9] =	ssyncset.done $0x0  }
0x10: {  	s12 =	simm.s32 $0x30;
	s10 =	sadd.s32 $0xA3A00, s23;
	[sflag:s9] =	ssyncadd.s32 $0xFFFFE000  }
0x11: {  	[hbm4b:s10+s11] =	stream.strided.scatter [tilespmem:s7], [sflag:$0x3], $0x2000, s12, s11, $0x38;
	[tilespmem:$0x2400] =	vst v63  }
0x12: {  	_ =	swait.ge [sflag:s3], $0x2000  }
0x13: {  	[sflag:s3] =	ssyncset.done $0x0  }
0x14: {  	s13 =	simm.s32 $0x2;
	[sflag:s3] =	ssyncadd.s32 $0xFFFFE000  }
0x15: {  	_ =	swait.ge [sflag:s13], $0x200  }
0x16: {  	s25 =	sadd.s32 $0xBBA00, s22;
	[sflag:s13] =	ssyncset.done $0x0  }
0x17: {  	s14 =	sadd.s32 s25, s21;
	[sflag:s13] =	ssyncadd.s32 $0xFFFFFE00  }
0x18: {  	[hbm4b:s14+s2] =	stream.linear.scatter [tilespmem:s8], [sflag:$0x3], $0x200, $0x38;
	[tilespmem:$0x2400] =	vst v63  }
0x19: {  	_ =	swait.ge [sflag:s3], $0x200  }
0x1a: {  	s19 =	sor.u32 $0x800, s21;
	[sflag:s3] =	ssyncset.done $0x0  }
0x1b: {  	s15 =	sadd.s32 s20, s19;
	[sflag:s3] =	ssyncadd.s32 $0xFFFFFE00  }
0x1c: {  	[tilespmem:s2], [sflag:$0x3] =	stream.linear.gather [hbm4b:s15+s2], $0x200, $0x38;
	[tilespmem:$0x2400] =	vst v63  }
0x1d: {  	_ =	swait.ge [sflag:s3], $0x200  }
0x1e: {  	[sflag:s3] =	ssyncset.done $0x0  }
0x1f: {  	s16 =	sadd.s32 $0x10A00, s22;
	[sflag:s3] =	ssyncadd.s32 $0xFFFFFE00  }
0x20: {  	[tilespmem:s7], [sflag:$0x1] =	stream.indirect.gather [hbm4b:s16+s7], $0x10, s2, s7, $0xb8;
	[tilespmem:$0x2400] =	vst v63  }
0x21: {  	s17 =	sadd.s32 $0xA600, s22  }
0x22: {  	[tilespmem:s8], [sflag:$0x2] =	stream.indirect.gather [hbm4b:s17+s7], $0x1, s2, s7, $0xb8;
	[tilespmem:$0x2400] =	vst v63  }
0x23: {  	_ =	swait.ge [sflag:s9], $0x2000  }
0x24: {  	[sflag:s9] =	ssyncset.done $0x0  }
0x25: {  	s18 =	sadd.s32 $0xA3A02, s23;
	[sflag:s9] =	ssyncadd.s32 $0xFFFFE000  }
0x26: {  	[hbm4b:s18+s11] =	stream.strided.scatter [tilespmem:s7], [sflag:$0x3], $0x2000, s12, s11, $0x38;
	[tilespmem:$0x2400] =	vst v63  }
0x27: {  	_ =	swait.ge [sflag:s3], $0x2000  }
0x28: {  	[sflag:s3] =	ssyncset.done $0x0  }
0x29: {  	[sflag:s3] =	ssyncadd.s32 $0xFFFFE000  }
0x2a: {  	_ =	swait.ge [sflag:s13], $0x200  }
0x2b: {  	[sflag:s13] =	ssyncset.done $0x0  }
0x2c: {  	s19 =	sadd.s32 s25, s19;
	[sflag:s13] =	ssyncadd.s32 $0xFFFFFE00  }
0x2d: {  	[hbm4b:s19+s2] =	stream.linear.scatter [tilespmem:s8], [sflag:$0x3], $0x200, $0x38;
	[tilespmem:$0x2400] =	vst v63  }
0x2e: {  	_ =	swait.ge [sflag:s3], $0x200  }
0x2f: {  	s26 =	sor.u32 $0x1000, s21;
	[sflag:s3] =	ssyncset.done $0x0  }
0x30: {  	s20 =	sadd.s32 s20, s26;
	[sflag:s3] =	ssyncadd.s32 $0xFFFFFE00  }
0x31: {  	[tilespmem:s2], [sflag:$0x3] =	stream.linear.gather [hbm4b:s20+s2], $0x200, $0x38;
	[tilespmem:$0x2400] =	vst v63  }
0x32: {  	_ =	swait.ge [sflag:s3], $0x200  }
0x33: {  	[sflag:s3] =	ssyncset.done $0x0  }
0x34: {  	s21 =	sadd.s32 $0x41A00, s22;
	[sflag:s3] =	ssyncadd.s32 $0xFFFFFE00  }
0x35: {  	[tilespmem:s7], [sflag:$0x1] =	stream.indirect.gather [hbm4b:s21+s7], $0x10, s2, s7, $0xb8;
	[tilespmem:$0x2400] =	vst v63  }
0x36: {  	s22 =	sadd.s32 $0xD800, s22  }
0x37: {  	[tilespmem:s8], [sflag:$0x2] =	stream.indirect.gather [hbm4b:s22+s7], $0x1, s2, s7, $0xb8;
	[tilespmem:$0x2400] =	vst v63  }
0x38: {  	_ =	swait.ge [sflag:s9], $0x2000  }
0x39: {  	[sflag:s9] =	ssyncset.done $0x0  }
0x3a: {  	s24 =	ssub.s32 $0x2, s24;
	s23 =	sadd.s32 $0xA3A04, s23;
	[sflag:s9] =	ssyncadd.s32 $0xFFFFE000  }
0x3b: {  	[hbm4b:s23+s11] =	stream.strided.scatter [tilespmem:s7], [sflag:$0x3], $0x2000, s12, s11, $0x38;
	[tilespmem:$0x2400] =	vst v63  }
0x3c: {  	s28 =	sshrl.u32 s24, $0x1;
	_ =	swait.ge [sflag:s3], $0x2000  }
0x3d: {  	s28 =	ssub.s32 s24, s28;
	[sflag:s3] =	ssyncset.done $0x0  }
0x3e: {  	s31 =	smax.u32 s28, $0x1;
	[sflag:s3] =	ssyncadd.s32 $0xFFFFE000  }
0x3f: {  	p0 =	sne.s32 s31, $0x1;
	_ =	swait.ge [sflag:s13], $0x200  }
.Ltmp0:
0x40: {  	[sflag:s13] =	ssyncset.done $0x0;
	(pc) =	sbr.rel @!p0 .LBB2_2-.Ltmp0, $4  }
0x41: {  	s24 =	sadd.s32 s25, s26;
	[sflag:s13] =	ssyncadd.s32 $0xFFFFFE00  }
0x42: {  	[hbm4b:s24+s2] =	stream.linear.scatter [tilespmem:s8], [sflag:$0x3], $0x200, $0x38;
	[tilespmem:$0x2400] =	vst v63  }
0x43: {  	_ =	swait.ge [sflag:s3], $0x200  }
0x44: {  	s25 =	sadd.s32 $0xFFFFFFFF, s31;
	[sflag:s3] =	ssyncset.done $0x0  }
.LBB2_1:
0x45: {  	p0 =	sne.s32 s25, $0x1;
	s25 =	sadd.s32 $0xFFFFFFFF, s25;
	[sflag:s3] =	ssyncadd.s32 $0xFFFFFE00  }
0x46: {  	[tilespmem:s2], [sflag:$0x3] =	stream.linear.gather [hbm4b:s4+s2], $0x200, $0x38;
	[tilespmem:$0x2400] =	vst v63  }
0x47: {  	_ =	swait.ge [sflag:s3], $0x200  }
0x48: {  	[sflag:s3] =	ssyncset.done $0x0  }
0x49: {  	[sflag:s3] =	ssyncadd.s32 $0xFFFFFE00  }
0x4a: {  	[tilespmem:s7], [sflag:$0x1] =	stream.indirect.gather [hbm4b:s6+s7], $0x10, s2, s7, $0xb8;
	[tilespmem:$0x2400] =	vst v63  }
0x4b: {  	_ = 	snop  }
0x4c: {  	[tilespmem:s8], [sflag:$0x2] =	stream.indirect.gather [hbm4b:s5+s7], $0x1, s2, s7, $0xb8;
	[tilespmem:$0x2400] =	vst v63  }
0x4d: {  	_ =	swait.ge [sflag:s9], $0x2000  }
0x4e: {  	[sflag:s9] =	ssyncset.done $0x0  }
0x4f: {  	[sflag:s9] =	ssyncadd.s32 $0xFFFFE000  }
0x50: {  	[hbm4b:s10+s11] =	stream.strided.scatter [tilespmem:s7], [sflag:$0x3], $0x2000, s12, s11, $0x38;
	[tilespmem:$0x2400] =	vst v63  }
0x51: {  	_ =	swait.ge [sflag:s3], $0x2000  }
0x52: {  	[sflag:s3] =	ssyncset.done $0x0  }
0x53: {  	[sflag:s3] =	ssyncadd.s32 $0xFFFFE000  }
0x54: {  	_ =	swait.ge [sflag:s13], $0x200  }
0x55: {  	[sflag:s13] =	ssyncset.done $0x0  }
0x56: {  	[sflag:s13] =	ssyncadd.s32 $0xFFFFFE00  }
0x57: {  	[hbm4b:s14+s2] =	stream.linear.scatter [tilespmem:s8], [sflag:$0x3], $0x200, $0x38;
	[tilespmem:$0x2400] =	vst v63  }
0x58: {  	_ =	swait.ge [sflag:s3], $0x200  }
0x59: {  	[sflag:s3] =	ssyncset.done $0x0  }
0x5a: {  	[sflag:s3] =	ssyncadd.s32 $0xFFFFFE00  }
0x5b: {  	[tilespmem:s2], [sflag:$0x3] =	stream.linear.gather [hbm4b:s15+s2], $0x200, $0x38;
	[tilespmem:$0x2400] =	vst v63  }
0x5c: {  	_ =	swait.ge [sflag:s3], $0x200  }
0x5d: {  	[sflag:s3] =	ssyncset.done $0x0  }
0x5e: {  	[sflag:s3] =	ssyncadd.s32 $0xFFFFFE00  }
0x5f: {  	[tilespmem:s7], [sflag:$0x1] =	stream.indirect.gather [hbm4b:s16+s7], $0x10, s2, s7, $0xb8;
	[tilespmem:$0x2400] =	vst v63  }
0x60: {  	_ = 	snop  }
0x61: {  	[tilespmem:s8], [sflag:$0x2] =	stream.indirect.gather [hbm4b:s17+s7], $0x1, s2, s7, $0xb8;
	[tilespmem:$0x2400] =	vst v63  }
0x62: {  	_ =	swait.ge [sflag:s9], $0x2000  }
0x63: {  	[sflag:s9] =	ssyncset.done $0x0  }
0x64: {  	[sflag:s9] =	ssyncadd.s32 $0xFFFFE000  }
0x65: {  	[hbm4b:s18+s11] =	stream.strided.scatter [tilespmem:s7], [sflag:$0x3], $0x2000, s12, s11, $0x38;
	[tilespmem:$0x2400] =	vst v63  }
0x66: {  	_ =	swait.ge [sflag:s3], $0x2000  }
0x67: {  	[sflag:s3] =	ssyncset.done $0x0  }
0x68: {  	[sflag:s3] =	ssyncadd.s32 $0xFFFFE000  }
0x69: {  	_ =	swait.ge [sflag:s13], $0x200  }
0x6a: {  	[sflag:s13] =	ssyncset.done $0x0  }
0x6b: {  	[sflag:s13] =	ssyncadd.s32 $0xFFFFFE00  }
0x6c: {  	[hbm4b:s19+s2] =	stream.linear.scatter [tilespmem:s8], [sflag:$0x3], $0x200, $0x38;
	[tilespmem:$0x2400] =	vst v63  }
0x6d: {  	_ =	swait.ge [sflag:s3], $0x200  }
0x6e: {  	[sflag:s3] =	ssyncset.done $0x0  }
0x6f: {  	[sflag:s3] =	ssyncadd.s32 $0xFFFFFE00  }
0x70: {  	[tilespmem:s2], [sflag:$0x3] =	stream.linear.gather [hbm4b:s20+s2], $0x200, $0x38;
	[tilespmem:$0x2400] =	vst v63  }
0x71: {  	_ =	swait.ge [sflag:s3], $0x200  }
0x72: {  	[sflag:s3] =	ssyncset.done $0x0  }
0x73: {  	[sflag:s3] =	ssyncadd.s32 $0xFFFFFE00  }
0x74: {  	[tilespmem:s7], [sflag:$0x1] =	stream.indirect.gather [hbm4b:s21+s7], $0x10, s2, s7, $0xb8;
	[tilespmem:$0x2400] =	vst v63  }
0x75: {  	_ = 	snop  }
0x76: {  	[tilespmem:s8], [sflag:$0x2] =	stream.indirect.gather [hbm4b:s22+s7], $0x1, s2, s7, $0xb8;
	[tilespmem:$0x2400] =	vst v63  }
0x77: {  	_ =	swait.ge [sflag:s9], $0x2000  }
0x78: {  	[sflag:s9] =	ssyncset.done $0x0  }
0x79: {  	[sflag:s9] =	ssyncadd.s32 $0xFFFFE000  }
0x7a: {  	[hbm4b:s23+s11] =	stream.strided.scatter [tilespmem:s7], [sflag:$0x3], $0x2000, s12, s11, $0x38;
	[tilespmem:$0x2400] =	vst v63  }
0x7b: {  	_ =	swait.ge [sflag:s3], $0x2000  }
0x7c: {  	[sflag:s3] =	ssyncset.done $0x0  }
0x7d: {  	[sflag:s3] =	ssyncadd.s32 $0xFFFFE000  }
0x7e: {  	_ =	swait.ge [sflag:s13], $0x200  }
.Ltmp1:
0x7f: {  	[sflag:s13] =	ssyncset.done $0x0;
	(pc) =	sbr.rel @p0 .LBB2_1-.Ltmp1, $4  }
0x80: {  	[sflag:s13] =	ssyncadd.s32 $0xFFFFFE00  }
0x81: {  	[hbm4b:s24+s2] =	stream.linear.scatter [tilespmem:s8], [sflag:$0x3], $0x200, $0x38;
	[tilespmem:$0x2400] =	vst v63  }
0x82: {  	_ =	swait.ge [sflag:s3], $0x200  }
0x83: {  	[sflag:s3] =	ssyncset.done $0x0  }
.LBB2_2:
0x84: {  	[sflag:s3] =	ssyncadd.s32 $0xFFFFFE00  }
0x85: {  	_ =	sfence.sel $0x180000  }
0x86: {  	[bflag:$0x0] =	sbarrier.arrive $0xFFFF  }
0x87: {  	p0 =	sne.s32 s0, $0x0;
	_ =	strace $0x90000047  }
0x88: {  	s0 =	sadd.s32 @!p0 $0x100000, s1;
	[bflag:$0x2] =	sbarrier.arrive $0xFFFF  }
0x89: {  	[sflag:s0] =	ssyncadd.tile.s32 @!p0 $0x1;
	_ =	shalt  }
.Lfunc_end2:
_tile_overlayer_lowered:
.L_overlay_start_2:
0x8a: {  	(tag) =	ssettag $0x2  }
0x8b: {  	s0 =	rddreg [dreg:$0x0];
	s2 =	stileid.u32  }
0x8c: {  	s1 =	rddreg [dreg:$0x1];
	p0 =	sne.s32 s2, $0x0  }
0x8d: {  	s3 =	rddreg [dreg:$0x2];
	[bflag:$0x3] =	sbarrier.arrive $0xFFFF;
	s2 =	simm.s32 @!p0 $0x1C03  }
0x8e: {  	[timem:s3], [sflag:s2] =	dma.local @!p0 [hbm:s0], s1  }
0x8f: {  	s0 =	simm.s32 @!p0 $0x3  }
0x90: {  	_ =	swait.ge @!p0 [sflag:s0], s1  }
0x91: {  	s1 =	ssub.s32 @!p0 $0x0, s1;
	[sflag:s0] =	ssyncset.done @!p0 $0x0  }
0x92: {  	[sflag:s0] =	ssyncadd.s32 @!p0 s1  }
0x93: {  	[bflag:$0x3] =	sbarrier.arrive $0xFFFF  }
0x94: {  	_ =	shalt  }

</sc_bundles>
